<compile_context>
chip_gen: v7x
topology: tpu7x:2x2x1
jax: 0.10.2.dev20260603
libtpu: 0.0.44.dev20260713+nightly
codegen_flags: <defaults>
</compile_context>

<pallas_src>
import functools

import jax
import jax.numpy as jnp
from jax import lax
from jax.experimental import pallas as pl
from jax.experimental.pallas import tpu as pltpu
from jax.experimental.pallas import tpu_sc as plsc

T = 2048
D = 1024
H = 512
O = 1024
E = 64
K = 2
LOSS_COEF = 0.01

BT = 128
NTILES = (T * K) // BT + E
BCAP = NTILES * BT

NC = 2
NS = 16
NW = NC * NS

_CB = 256



def _gating_body(x_ref, wg_ref, dest_ref, gate_ref, eot_ref, xsrc_ref, loss_ref):
    logits = jnp.dot(x_ref[...], wg_ref[...], preferred_element_type=jnp.float32)
    col = lax.broadcasted_iota(jnp.int32, (T, E), 1)
    neg_inf = jnp.float32(-jnp.inf)

    m1 = jnp.max(logits, axis=1, keepdims=True)
    i1 = jnp.min(jnp.where(logits == m1, col, E), axis=1, keepdims=True)
    mask1 = col == i1
    l2 = jnp.where(mask1, neg_inf, logits)
    m2 = jnp.max(l2, axis=1, keepdims=True)
    i2 = jnp.min(jnp.where(l2 == m2, col, E), axis=1, keepdims=True)
    mask2 = col == i2

    e2 = jnp.exp(m2 - m1)
    denom = 1.0 + e2
    g1 = 1.0 / denom
    g2 = e2 / denom
    gate_ref[:, 0:1] = g1
    gate_ref[:, 1:2] = g2

    loadm = (mask1 | mask2).astype(jnp.float32)

    r = lax.broadcasted_iota(jnp.int32, (_CB, _CB), 0)
    c = lax.broadcasted_iota(jnp.int32, (_CB, _CB), 1)
    l_strict = (r > c).astype(jnp.float32)
    carry = jnp.zeros((1, E), jnp.float32)
    rk1, rk2 = [], []
    for b in range(T // _CB):
        blk = loadm[b * _CB:(b + 1) * _CB]
        excl = jnp.dot(l_strict, blk, preferred_element_type=jnp.float32) + carry
        m1b = mask1[b * _CB:(b + 1) * _CB].astype(jnp.float32)
        m2b = mask2[b * _CB:(b + 1) * _CB].astype(jnp.float32)
        rk1.append(jnp.sum(excl * m1b, axis=1, keepdims=True))
        rk2.append(jnp.sum(excl * m2b, axis=1, keepdims=True))
        carry = carry + jnp.sum(blk, axis=0, keepdims=True)
    rank1 = jnp.concatenate(rk1, axis=0)
    rank2 = jnp.concatenate(rk2, axis=0)
    load = carry

    ntiles_e = jnp.floor((load + (BT - 1)) * (1.0 / BT))
    er = lax.broadcasted_iota(jnp.int32, (E, E), 0)
    ec = lax.broadcasted_iota(jnp.int32, (E, E), 1)
    incl = (er <= ec).astype(jnp.float32)
    tile_cum = jnp.dot(ntiles_e, incl, preferred_element_type=jnp.float32)
    slot_off = (tile_cum - ntiles_e) * BT

    so1 = jnp.sum(mask1.astype(jnp.float32) * slot_off, axis=1, keepdims=True)
    so2 = jnp.sum(mask2.astype(jnp.float32) * slot_off, axis=1, keepdims=True)
    dest_ref[:, 0:1] = (so1 + rank1).astype(jnp.int32)
    dest_ref[:, 1:2] = (so2 + rank2).astype(jnp.int32)

    n_used = tile_cum[0:1, E - 1:E].astype(jnp.int32)
    ti = lax.broadcasted_iota(jnp.int32, (NTILES, E), 0)
    src = jnp.minimum(ti, n_used[0, 0] - 1)
    xsrc_ref[...] = src[:, 0:1]
    tile_cum_i = jnp.broadcast_to(tile_cum.astype(jnp.int32), (NTILES, E))
    cmp = (tile_cum_i <= src).astype(jnp.int32)
    eot_ref[...] = jnp.minimum(jnp.sum(cmp, axis=1, keepdims=True), E - 1)

    gmat = jnp.where(mask1, g1, 0.0) + jnp.where(mask2, g2, 0.0)
    importance = jnp.sum(gmat, axis=0, keepdims=True)

    def cv_sq(v):
        mean = jnp.sum(v) / E
        var = jnp.sum((v - mean) ** 2) / (E - 1)
        return var / (mean * mean + 1e-10)

    loss_val = (cv_sq(importance) + cv_sq(load)) * LOSS_COEF
    loss_ref[...] = jnp.broadcast_to(loss_val, (1, 1))


def _gating(x, w_gate):
    return pl.pallas_call(
        _gating_body,
        out_shape=[
            jax.ShapeDtypeStruct((T, K), jnp.int32),
            jax.ShapeDtypeStruct((T, K), jnp.float32),
            jax.ShapeDtypeStruct((NTILES, 1), jnp.int32),
            jax.ShapeDtypeStruct((NTILES, 1), jnp.int32),
            jax.ShapeDtypeStruct((1, 1), jnp.float32),
        ],
    )(x, w_gate)



_TOK_PER_W = T // NW


def _sc_dispatch(x, d0, d1):
    mesh = plsc.VectorSubcoreMesh(
        core_axis_name="c", subcore_axis_name="s", num_cores=NC, num_subcores=NS)

    @functools.partial(
        pl.kernel,
        mesh=mesh,
        out_type=jax.ShapeDtypeStruct((BCAP, D), jnp.float32),
        scratch_types=[
            pltpu.VMEM((_TOK_PER_W,), jnp.int32),
            pltpu.VMEM((_TOK_PER_W,), jnp.int32),
            pltpu.VMEM((_TOK_PER_W, D), jnp.float32),
            pltpu.SemaphoreType.DMA,
            pltpu.SemaphoreType.DMA,
        ],
    )
    def dispatch_kernel(x_hbm, d0_hbm, d1_hbm, out_hbm, i0_v, i1_v, rows_v,
                        s0, s1):
        wid = lax.axis_index("s") * NC + lax.axis_index("c")
        base = wid * _TOK_PER_W
        pltpu.sync_copy(d0_hbm.at[pl.ds(base, _TOK_PER_W)], i0_v)
        pltpu.sync_copy(d1_hbm.at[pl.ds(base, _TOK_PER_W)], i1_v)
        pltpu.sync_copy(x_hbm.at[pl.ds(base, _TOK_PER_W)], rows_v)
        c0 = pltpu.async_copy(rows_v, out_hbm.at[i0_v], s0)
        c1 = pltpu.async_copy(rows_v, out_hbm.at[i1_v], s1)
        c0.wait()
        c1.wait()

    return dispatch_kernel(x, d0, d1)



def _mlp_body(eot_ref, xsrc_ref, xs_ref, w1_ref, b1_ref, w2_ref, b2_ref, ys_ref):
    del eot_ref
    i = pl.program_id(0)

    @pl.when(xsrc_ref[i] == i)
    def _active():
        h = jnp.dot(xs_ref[...], w1_ref[0], preferred_element_type=jnp.float32)
        h = jnp.maximum(h + b1_ref[0], 0.0)
        ys_ref[...] = jnp.dot(h, w2_ref[0], preferred_element_type=jnp.float32) + b2_ref[0]


def _mlp(expert_of_tile, xsrc, xs, W1, b1, W2, b2):
    grid_spec = pltpu.PrefetchScalarGridSpec(
        num_scalar_prefetch=2,
        grid=(NTILES,),
        in_specs=[
            pl.BlockSpec((BT, D), lambda i, eot, xsrc: (xsrc[i], 0)),
            pl.BlockSpec((1, D, H), lambda i, eot, xsrc: (eot[i], 0, 0)),
            pl.BlockSpec((1, 1, H), lambda i, eot, xsrc: (eot[i], 0, 0)),
            pl.BlockSpec((1, H, O), lambda i, eot, xsrc: (eot[i], 0, 0)),
            pl.BlockSpec((1, 1, O), lambda i, eot, xsrc: (eot[i], 0, 0)),
        ],
        out_specs=pl.BlockSpec((BT, O), lambda i, eot, xsrc: (xsrc[i], 0)),
    )
    return pl.pallas_call(
        _mlp_body,
        grid_spec=grid_spec,
        out_shape=jax.ShapeDtypeStruct((BCAP, O), jnp.float32),
        compiler_params=pltpu.CompilerParams(
            dimension_semantics=("arbitrary",)),
    )(expert_of_tile, xsrc, xs, W1, b1.reshape(E, 1, H), W2, b2.reshape(E, 1, O))



def _sc_pair_gather(ys, p0, p1):
    mesh = plsc.VectorSubcoreMesh(
        core_axis_name="c", subcore_axis_name="s", num_cores=NC, num_subcores=NS)

    @functools.partial(
        pl.kernel,
        mesh=mesh,
        out_type=[
            jax.ShapeDtypeStruct((T, O), jnp.float32),
            jax.ShapeDtypeStruct((T, O), jnp.float32),
        ],
        scratch_types=[
            pltpu.VMEM((_TOK_PER_W,), jnp.int32),
            pltpu.VMEM((_TOK_PER_W,), jnp.int32),
            pltpu.VMEM((_TOK_PER_W, O), jnp.float32),
            pltpu.SemaphoreType.DMA,
        ],
    )
    def pair_gather_kernel(ys_hbm, p0_hbm, p1_hbm, a_hbm, b_hbm,
                           i0_v, i1_v, r_v, sem):
        wid = lax.axis_index("s") * NC + lax.axis_index("c")
        base = wid * _TOK_PER_W
        pltpu.sync_copy(p0_hbm.at[pl.ds(base, _TOK_PER_W)], i0_v)
        pltpu.sync_copy(p1_hbm.at[pl.ds(base, _TOK_PER_W)], i1_v)
        pltpu.async_copy(ys_hbm.at[i0_v], r_v, sem).wait()
        pltpu.sync_copy(r_v, a_hbm.at[pl.ds(base, _TOK_PER_W)])
        pltpu.async_copy(ys_hbm.at[i1_v], r_v, sem).wait()
        pltpu.sync_copy(r_v, b_hbm.at[pl.ds(base, _TOK_PER_W)])

    return pair_gather_kernel(ys, p0, p1)



_ABLK = 256


def _add_body(a_ref, b_ref, g_ref, o_ref):
    o_ref[...] = a_ref[...] * g_ref[:, 0:1] + b_ref[...] * g_ref[:, 1:2]


def _tc_combine(a, b, gates):
    return pl.pallas_call(
        _add_body,
        grid=(T // _ABLK,),
        in_specs=[
            pl.BlockSpec((_ABLK, O), lambda i: (i, 0)),
            pl.BlockSpec((_ABLK, O), lambda i: (i, 0)),
            pl.BlockSpec((_ABLK, K), lambda i: (i, 0)),
        ],
        out_specs=pl.BlockSpec((_ABLK, O), lambda i: (i, 0)),
        out_shape=jax.ShapeDtypeStruct((T, O), jnp.float32),
    )(a, b, gates)



def kernel(x, w_gate, W1, b1, W2, b2):
    dest, gates, eot, xsrc, loss = _gating(x, w_gate)
    xs = _sc_dispatch(x, dest[:, 0], dest[:, 1])
    ys = _mlp(eot.reshape(-1), xsrc.reshape(-1), xs, W1, b1, W2, b2)
    a, b = _sc_pair_gather(ys, dest[:, 0], dest[:, 1])
    y = _tc_combine(a, b, gates)
    return (y, loss[0, 0])

# --- scband reference (transcript-rebuilt; emitter-appended) ---
"""Pipeline reference for scband-mo-e-2542620639786 (READ-ONLY COPY).

The authoritative reference and input builder live on the scoring server;
editing this copy changes nothing except your own understanding.
"""

import jax, jax.numpy as jnp
import numpy as np

T = 2048   # tokens (batch 1 x seq 2048)
D = 1024   # input_size / d_model
H = 512    # expert hidden_size
O = 1024   # output_size
E = 64     # num_experts
K = 2      # top_k
LOSS_COEF = 0.01


def setup_inputs(seed: int = 0) -> dict:
    key = jax.random.key(seed)
    ks = jax.random.split(key, 6)
    x = jax.random.normal(ks[0], (T, D), dtype=jnp.float32)
    # w_gate is a learned parameter; use small random init (post-training surrogate)
    # so routing is non-degenerate (the torch ctor zeros it at init time).
    w_gate = jax.random.normal(ks[1], (D, E), dtype=jnp.float32) * 0.02
    W1 = jax.random.normal(ks[2], (E, D, H), dtype=jnp.float32) * (1.0 / np.sqrt(D))
    b1 = jnp.zeros((E, H), dtype=jnp.float32)
    W2 = jax.random.normal(ks[3], (E, H, O), dtype=jnp.float32) * (1.0 / np.sqrt(H))
    b2 = jnp.zeros((E, O), dtype=jnp.float32)
    return {"x": x, "w_gate": w_gate, "W1": W1, "b1": b1, "W2": W2, "b2": b2}


def _cv_squared(v):
    eps = 1e-10
    v = v.astype(jnp.float32)
    return jnp.var(v, ddof=1) / (jnp.mean(v) ** 2 + eps)


def reference(x, w_gate, W1, b1, W2, b2):
    # --- noisy_top_k_gating (eval mode: no noise added) ---
    logits = x @ w_gate                                  # [T, E]
    top_vals, top_idx = jax.lax.top_k(logits, K)         # [T, K]
    top_gates = jax.nn.softmax(top_vals, axis=1)         # [T, K]
    gates = jnp.zeros_like(logits).at[jnp.arange(logits.shape[0])[:, None], top_idx].set(top_gates)
    importance = gates.sum(0)                            # [E]
    load = (gates > 0).sum(0).astype(jnp.float32)        # [E]
    loss = (_cv_squared(importance) + _cv_squared(load)) * LOSS_COEF
    # --- dispatch/expert/combine ---
    # SparseDispatcher gathers tokens per expert, applies MLP_e, then
    # index_adds gate_te * MLP_e(x_t) back.  Since gates are exactly zero for
    # non-selected (token, expert) pairs, this equals the dense contraction
    # y_t = sum_e g_te * (relu(x_t W1_e + b1_e) W2_e + b2_e).
    h = jnp.einsum('td,edh->teh', x, W1) + b1[None, :, :]   # [T, E, H]
    h = jax.nn.relu(h)
    hg = h * gates[:, :, None]
    y = jnp.einsum('teh,eho->to', hg, W2) + gates @ b2      # [T, O]
    return (y, loss)

if __name__ == "__main__":
    import jax
    _d = setup_inputs()
    print(jax.jit(kernel)(*tuple(_d.values())))

</pallas_src>

<mosaic_0001>
#map = affine_map<(d0, d1) -> (0, 0)>
#map1 = affine_map<(d0, d1) -> (0)>
module attributes {stable_mosaic.version = 14 : i64} {
  func.func @pair_gather_kernel(%arg0: i32, %arg1: i32, %arg2: memref<12288x1024xf32, #tpu.memory_space<hbm>>, %arg3: memref<2048xi32, #tpu.memory_space<hbm>>, %arg4: memref<2048xi32, #tpu.memory_space<hbm>>, %arg5: memref<2048x1024xf32, #tpu.memory_space<hbm>>, %arg6: memref<2048x1024xf32, #tpu.memory_space<hbm>>, %arg7: memref<64xi32, #tpu.memory_space<vmem>>, %arg8: memref<64xi32, #tpu.memory_space<vmem>>, %arg9: memref<64x1024xf32, #tpu.memory_space<vmem>>, %arg10: memref<!tpu.dma_semaphore, #tpu.memory_space<semaphore_mem>>) attributes {dimension_semantics = [#tpu.dimension_semantics<core_parallel>, #tpu.dimension_semantics<subcore_parallel>], iteration_bounds = array<i64: 2, 16>, scalar_prefetch = 0 : i64, scratch_operands = 4 : i64, tpu.core_type = #tpu.core_type<sc_vector_subcore>, window_params = [{transform_indices = #map}, {transform_indices = #map1}, {transform_indices = #map1}, {transform_indices = #map}, {transform_indices = #map}]} {
    %mul3A = arith.constant 2 : i32
    %mul3A_0 = arith.muli %arg1, %mul3A : i32
    %add3A = arith.addi %mul3A_0, %arg0 : i32
    %mul3A_1 = arith.constant 64 : i32
    %mul3A_2 = arith.muli %add3A, %mul3A_1 : i32
    "tpu.region"() ({
      %run_scoped3A = tpu.sem_alloc : memref<!tpu.dma_semaphore, #tpu.memory_space<semaphore_mem>>
      %dma_start3A_13 = tpu.memref_slice %arg3[%mul3A_2] : memref<2048xi32, #tpu.memory_space<hbm>> -> memref<64xi32, #tpu.memory_space<hbm>>
      %dma_start3A_14 = tpu.memref_slice %arg3[%mul3A_2] : memref<2048xi32, #tpu.memory_space<hbm>> -> memref<64xi32, #tpu.memory_space<hbm>>
      tpu.enqueue_dma source(%dma_start3A_14 : memref<64xi32, #tpu.memory_space<hbm>>) target(%arg7 : memref<64xi32, #tpu.memory_space<vmem>>) target_semaphore(%run_scoped3A : memref<!tpu.dma_semaphore, #tpu.memory_space<semaphore_mem>>)
      %dma_wait3A_15 = tpu.memref_slice %arg3[%mul3A_2] : memref<2048xi32, #tpu.memory_space<hbm>> -> memref<64xi32, #tpu.memory_space<hbm>>
      %dma_wait3A_16 = tpu.memref_slice %arg3[%mul3A_2] : memref<2048xi32, #tpu.memory_space<hbm>> -> memref<64xi32, #tpu.memory_space<hbm>>
      tpu.wait_dma2 semaphore(%run_scoped3A : memref<!tpu.dma_semaphore, #tpu.memory_space<semaphore_mem>>) src(%dma_wait3A_16 : memref<64xi32, #tpu.memory_space<hbm>>) dst(%arg7 : memref<64xi32, #tpu.memory_space<vmem>>)
      tpu.yield
    }) : () -> ()
    "tpu.region"() ({
      %run_scoped3A = tpu.sem_alloc : memref<!tpu.dma_semaphore, #tpu.memory_space<semaphore_mem>>
      %dma_start3A_13 = tpu.memref_slice %arg4[%mul3A_2] : memref<2048xi32, #tpu.memory_space<hbm>> -> memref<64xi32, #tpu.memory_space<hbm>>
      %dma_start3A_14 = tpu.memref_slice %arg4[%mul3A_2] : memref<2048xi32, #tpu.memory_space<hbm>> -> memref<64xi32, #tpu.memory_space<hbm>>
      tpu.enqueue_dma source(%dma_start3A_14 : memref<64xi32, #tpu.memory_space<hbm>>) target(%arg8 : memref<64xi32, #tpu.memory_space<vmem>>) target_semaphore(%run_scoped3A : memref<!tpu.dma_semaphore, #tpu.memory_space<semaphore_mem>>)
      %dma_wait3A_15 = tpu.memref_slice %arg4[%mul3A_2] : memref<2048xi32, #tpu.memory_space<hbm>> -> memref<64xi32, #tpu.memory_space<hbm>>
      %dma_wait3A_16 = tpu.memref_slice %arg4[%mul3A_2] : memref<2048xi32, #tpu.memory_space<hbm>> -> memref<64xi32, #tpu.memory_space<hbm>>
      tpu.wait_dma2 semaphore(%run_scoped3A : memref<!tpu.dma_semaphore, #tpu.memory_space<semaphore_mem>>) src(%dma_wait3A_16 : memref<64xi32, #tpu.memory_space<hbm>>) dst(%arg8 : memref<64xi32, #tpu.memory_space<vmem>>)
      tpu.yield
    }) : () -> ()
    %dma_start3A = arith.constant 0 : i32
    %dma_start3A_3 = arith.constant 0 : i32
    %dma_start3A_4 = tpu.memref_slice %arg2[%dma_start3A, %dma_start3A_3] : memref<12288x1024xf32, #tpu.memory_space<hbm>> -> memref<12288x1024xf32, #tpu.memory_space<hbm>>
    tpu.enqueue_indirect_dma source(%dma_start3A_4 : memref<12288x1024xf32, #tpu.memory_space<hbm>>) target(%arg9 : memref<64x1024xf32, #tpu.memory_space<vmem>>) offsets(%arg7 : memref<64xi32, #tpu.memory_space<vmem>>) semaphore(%arg10 : memref<!tpu.dma_semaphore, #tpu.memory_space<semaphore_mem>>)
    %dma_wait3A = arith.constant 0 : i32
    %dma_wait3A_5 = arith.constant 0 : i32
    %dma_wait3A_6 = tpu.memref_slice %arg2[%dma_wait3A, %dma_wait3A_5] : memref<12288x1024xf32, #tpu.memory_space<hbm>> -> memref<12288x1024xf32, #tpu.memory_space<hbm>>
    tpu.wait_indirect_dma semaphore(%arg10 : memref<!tpu.dma_semaphore, #tpu.memory_space<semaphore_mem>>) src(%dma_wait3A_6 : memref<12288x1024xf32, #tpu.memory_space<hbm>>) dst(%arg9 : memref<64x1024xf32, #tpu.memory_space<vmem>>)
    "tpu.region"() ({
      %run_scoped3A = tpu.sem_alloc : memref<!tpu.dma_semaphore, #tpu.memory_space<semaphore_mem>>
      %dma_start3A_13 = arith.constant 0 : i32
      %dma_start3A_14 = tpu.memref_slice %arg5[%mul3A_2, %dma_start3A_13] : memref<2048x1024xf32, #tpu.memory_space<hbm>> -> memref<64x1024xf32, #tpu.memory_space<hbm>>
      %dma_start3A_15 = arith.constant 0 : i32
      %dma_start3A_16 = tpu.memref_slice %arg5[%mul3A_2, %dma_start3A_15] : memref<2048x1024xf32, #tpu.memory_space<hbm>> -> memref<64x1024xf32, #tpu.memory_space<hbm>>
      tpu.enqueue_dma source(%arg9 : memref<64x1024xf32, #tpu.memory_space<vmem>>) target(%dma_start3A_16 : memref<64x1024xf32, #tpu.memory_space<hbm>>) target_semaphore(%run_scoped3A : memref<!tpu.dma_semaphore, #tpu.memory_space<semaphore_mem>>)
      %dma_wait3A_17 = arith.constant 0 : i32
      %dma_wait3A_18 = tpu.memref_slice %arg5[%mul3A_2, %dma_wait3A_17] : memref<2048x1024xf32, #tpu.memory_space<hbm>> -> memref<64x1024xf32, #tpu.memory_space<hbm>>
      %dma_wait3A_19 = arith.constant 0 : i32
      %dma_wait3A_20 = tpu.memref_slice %arg5[%mul3A_2, %dma_wait3A_19] : memref<2048x1024xf32, #tpu.memory_space<hbm>> -> memref<64x1024xf32, #tpu.memory_space<hbm>>
      tpu.wait_dma2 semaphore(%run_scoped3A : memref<!tpu.dma_semaphore, #tpu.memory_space<semaphore_mem>>) src(%arg9 : memref<64x1024xf32, #tpu.memory_space<vmem>>) dst(%dma_wait3A_20 : memref<64x1024xf32, #tpu.memory_space<hbm>>)
      tpu.yield
    }) : () -> ()
    %dma_start3A_7 = arith.constant 0 : i32
    %dma_start3A_8 = arith.constant 0 : i32
    %dma_start3A_9 = tpu.memref_slice %arg2[%dma_start3A_7, %dma_start3A_8] : memref<12288x1024xf32, #tpu.memory_space<hbm>> -> memref<12288x1024xf32, #tpu.memory_space<hbm>>
    tpu.enqueue_indirect_dma source(%dma_start3A_9 : memref<12288x1024xf32, #tpu.memory_space<hbm>>) target(%arg9 : memref<64x1024xf32, #tpu.memory_space<vmem>>) offsets(%arg8 : memref<64xi32, #tpu.memory_space<vmem>>) semaphore(%arg10 : memref<!tpu.dma_semaphore, #tpu.memory_space<semaphore_mem>>)
    %dma_wait3A_10 = arith.constant 0 : i32
    %dma_wait3A_11 = arith.constant 0 : i32
    %dma_wait3A_12 = tpu.memref_slice %arg2[%dma_wait3A_10, %dma_wait3A_11] : memref<12288x1024xf32, #tpu.memory_space<hbm>> -> memref<12288x1024xf32, #tpu.memory_space<hbm>>
    tpu.wait_indirect_dma semaphore(%arg10 : memref<!tpu.dma_semaphore, #tpu.memory_space<semaphore_mem>>) src(%dma_wait3A_12 : memref<12288x1024xf32, #tpu.memory_space<hbm>>) dst(%arg9 : memref<64x1024xf32, #tpu.memory_space<vmem>>)
    "tpu.region"() ({
      %run_scoped3A = tpu.sem_alloc : memref<!tpu.dma_semaphore, #tpu.memory_space<semaphore_mem>>
      %dma_start3A_13 = arith.constant 0 : i32
      %dma_start3A_14 = tpu.memref_slice %arg6[%mul3A_2, %dma_start3A_13] : memref<2048x1024xf32, #tpu.memory_space<hbm>> -> memref<64x1024xf32, #tpu.memory_space<hbm>>
      %dma_start3A_15 = arith.constant 0 : i32
      %dma_start3A_16 = tpu.memref_slice %arg6[%mul3A_2, %dma_start3A_15] : memref<2048x1024xf32, #tpu.memory_space<hbm>> -> memref<64x1024xf32, #tpu.memory_space<hbm>>
      tpu.enqueue_dma source(%arg9 : memref<64x1024xf32, #tpu.memory_space<vmem>>) target(%dma_start3A_16 : memref<64x1024xf32, #tpu.memory_space<hbm>>) target_semaphore(%run_scoped3A : memref<!tpu.dma_semaphore, #tpu.memory_space<semaphore_mem>>)
      %dma_wait3A_17 = arith.constant 0 : i32
      %dma_wait3A_18 = tpu.memref_slice %arg6[%mul3A_2, %dma_wait3A_17] : memref<2048x1024xf32, #tpu.memory_space<hbm>> -> memref<64x1024xf32, #tpu.memory_space<hbm>>
      %dma_wait3A_19 = arith.constant 0 : i32
      %dma_wait3A_20 = tpu.memref_slice %arg6[%mul3A_2, %dma_wait3A_19] : memref<2048x1024xf32, #tpu.memory_space<hbm>> -> memref<64x1024xf32, #tpu.memory_space<hbm>>
      tpu.wait_dma2 semaphore(%run_scoped3A : memref<!tpu.dma_semaphore, #tpu.memory_space<semaphore_mem>>) src(%arg9 : memref<64x1024xf32, #tpu.memory_space<vmem>>) dst(%dma_wait3A_20 : memref<64x1024xf32, #tpu.memory_space<hbm>>)
      tpu.yield
    }) : () -> ()
    return
  }
}

#map = affine_map<(d0, d1) -> (0, 0)>
#map1 = affine_map<(d0, d1) -> (0)>
module attributes {stable_mosaic.version = 14 : i64} {
  func.func @dispatch_kernel(%arg0: i32, %arg1: i32, %arg2: memref<2048x1024xf32, #tpu.memory_space<hbm>>, %arg3: memref<2048xi32, #tpu.memory_space<hbm>>, %arg4: memref<2048xi32, #tpu.memory_space<hbm>>, %arg5: memref<12288x1024xf32, #tpu.memory_space<hbm>>, %arg6: memref<64xi32, #tpu.memory_space<vmem>>, %arg7: memref<64xi32, #tpu.memory_space<vmem>>, %arg8: memref<64x1024xf32, #tpu.memory_space<vmem>>, %arg9: memref<!tpu.dma_semaphore, #tpu.memory_space<semaphore_mem>>, %arg10: memref<!tpu.dma_semaphore, #tpu.memory_space<semaphore_mem>>) attributes {dimension_semantics = [#tpu.dimension_semantics<core_parallel>, #tpu.dimension_semantics<subcore_parallel>], iteration_bounds = array<i64: 2, 16>, scalar_prefetch = 0 : i64, scratch_operands = 5 : i64, tpu.core_type = #tpu.core_type<sc_vector_subcore>, window_params = [{transform_indices = #map}, {transform_indices = #map1}, {transform_indices = #map1}, {transform_indices = #map}]} {
    %mul3A = arith.constant 2 : i32
    %mul3A_0 = arith.muli %arg1, %mul3A : i32
    %add3A = arith.addi %mul3A_0, %arg0 : i32
    %mul3A_1 = arith.constant 64 : i32
    %mul3A_2 = arith.muli %add3A, %mul3A_1 : i32
    "tpu.region"() ({
      %run_scoped3A = tpu.sem_alloc : memref<!tpu.dma_semaphore, #tpu.memory_space<semaphore_mem>>
      %dma_start3A_13 = tpu.memref_slice %arg3[%mul3A_2] : memref<2048xi32, #tpu.memory_space<hbm>> -> memref<64xi32, #tpu.memory_space<hbm>>
      %dma_start3A_14 = tpu.memref_slice %arg3[%mul3A_2] : memref<2048xi32, #tpu.memory_space<hbm>> -> memref<64xi32, #tpu.memory_space<hbm>>
      tpu.enqueue_dma source(%dma_start3A_14 : memref<64xi32, #tpu.memory_space<hbm>>) target(%arg6 : memref<64xi32, #tpu.memory_space<vmem>>) target_semaphore(%run_scoped3A : memref<!tpu.dma_semaphore, #tpu.memory_space<semaphore_mem>>)
      %dma_wait3A_15 = tpu.memref_slice %arg3[%mul3A_2] : memref<2048xi32, #tpu.memory_space<hbm>> -> memref<64xi32, #tpu.memory_space<hbm>>
      %dma_wait3A_16 = tpu.memref_slice %arg3[%mul3A_2] : memref<2048xi32, #tpu.memory_space<hbm>> -> memref<64xi32, #tpu.memory_space<hbm>>
      tpu.wait_dma2 semaphore(%run_scoped3A : memref<!tpu.dma_semaphore, #tpu.memory_space<semaphore_mem>>) src(%dma_wait3A_16 : memref<64xi32, #tpu.memory_space<hbm>>) dst(%arg6 : memref<64xi32, #tpu.memory_space<vmem>>)
      tpu.yield
    }) : () -> ()
    "tpu.region"() ({
      %run_scoped3A = tpu.sem_alloc : memref<!tpu.dma_semaphore, #tpu.memory_space<semaphore_mem>>
      %dma_start3A_13 = tpu.memref_slice %arg4[%mul3A_2] : memref<2048xi32, #tpu.memory_space<hbm>> -> memref<64xi32, #tpu.memory_space<hbm>>
      %dma_start3A_14 = tpu.memref_slice %arg4[%mul3A_2] : memref<2048xi32, #tpu.memory_space<hbm>> -> memref<64xi32, #tpu.memory_space<hbm>>
      tpu.enqueue_dma source(%dma_start3A_14 : memref<64xi32, #tpu.memory_space<hbm>>) target(%arg7 : memref<64xi32, #tpu.memory_space<vmem>>) target_semaphore(%run_scoped3A : memref<!tpu.dma_semaphore, #tpu.memory_space<semaphore_mem>>)
      %dma_wait3A_15 = tpu.memref_slice %arg4[%mul3A_2] : memref<2048xi32, #tpu.memory_space<hbm>> -> memref<64xi32, #tpu.memory_space<hbm>>
      %dma_wait3A_16 = tpu.memref_slice %arg4[%mul3A_2] : memref<2048xi32, #tpu.memory_space<hbm>> -> memref<64xi32, #tpu.memory_space<hbm>>
      tpu.wait_dma2 semaphore(%run_scoped3A : memref<!tpu.dma_semaphore, #tpu.memory_space<semaphore_mem>>) src(%dma_wait3A_16 : memref<64xi32, #tpu.memory_space<hbm>>) dst(%arg7 : memref<64xi32, #tpu.memory_space<vmem>>)
      tpu.yield
    }) : () -> ()
    "tpu.region"() ({
      %run_scoped3A = tpu.sem_alloc : memref<!tpu.dma_semaphore, #tpu.memory_space<semaphore_mem>>
      %dma_start3A_13 = arith.constant 0 : i32
      %dma_start3A_14 = tpu.memref_slice %arg2[%mul3A_2, %dma_start3A_13] : memref<2048x1024xf32, #tpu.memory_space<hbm>> -> memref<64x1024xf32, #tpu.memory_space<hbm>>
      %dma_start3A_15 = arith.constant 0 : i32
      %dma_start3A_16 = tpu.memref_slice %arg2[%mul3A_2, %dma_start3A_15] : memref<2048x1024xf32, #tpu.memory_space<hbm>> -> memref<64x1024xf32, #tpu.memory_space<hbm>>
      tpu.enqueue_dma source(%dma_start3A_16 : memref<64x1024xf32, #tpu.memory_space<hbm>>) target(%arg8 : memref<64x1024xf32, #tpu.memory_space<vmem>>) target_semaphore(%run_scoped3A : memref<!tpu.dma_semaphore, #tpu.memory_space<semaphore_mem>>)
      %dma_wait3A_17 = arith.constant 0 : i32
      %dma_wait3A_18 = tpu.memref_slice %arg2[%mul3A_2, %dma_wait3A_17] : memref<2048x1024xf32, #tpu.memory_space<hbm>> -> memref<64x1024xf32, #tpu.memory_space<hbm>>
      %dma_wait3A_19 = arith.constant 0 : i32
      %dma_wait3A_20 = tpu.memref_slice %arg2[%mul3A_2, %dma_wait3A_19] : memref<2048x1024xf32, #tpu.memory_space<hbm>> -> memref<64x1024xf32, #tpu.memory_space<hbm>>
      tpu.wait_dma2 semaphore(%run_scoped3A : memref<!tpu.dma_semaphore, #tpu.memory_space<semaphore_mem>>) src(%dma_wait3A_20 : memref<64x1024xf32, #tpu.memory_space<hbm>>) dst(%arg8 : memref<64x1024xf32, #tpu.memory_space<vmem>>)
      tpu.yield
    }) : () -> ()
    %dma_start3A = arith.constant 0 : i32
    %dma_start3A_3 = arith.constant 0 : i32
    %dma_start3A_4 = tpu.memref_slice %arg5[%dma_start3A, %dma_start3A_3] : memref<12288x1024xf32, #tpu.memory_space<hbm>> -> memref<12288x1024xf32, #tpu.memory_space<hbm>>
    tpu.enqueue_indirect_dma source(%arg8 : memref<64x1024xf32, #tpu.memory_space<vmem>>) target(%dma_start3A_4 : memref<12288x1024xf32, #tpu.memory_space<hbm>>) offsets(%arg6 : memref<64xi32, #tpu.memory_space<vmem>>) semaphore(%arg9 : memref<!tpu.dma_semaphore, #tpu.memory_space<semaphore_mem>>)
    %dma_start3A_5 = arith.constant 0 : i32
    %dma_start3A_6 = arith.constant 0 : i32
    %dma_start3A_7 = tpu.memref_slice %arg5[%dma_start3A_5, %dma_start3A_6] : memref<12288x1024xf32, #tpu.memory_space<hbm>> -> memref<12288x1024xf32, #tpu.memory_space<hbm>>
    tpu.enqueue_indirect_dma source(%arg8 : memref<64x1024xf32, #tpu.memory_space<vmem>>) target(%dma_start3A_7 : memref<12288x1024xf32, #tpu.memory_space<hbm>>) offsets(%arg7 : memref<64xi32, #tpu.memory_space<vmem>>) semaphore(%arg10 : memref<!tpu.dma_semaphore, #tpu.memory_space<semaphore_mem>>)
    %dma_wait3A = arith.constant 0 : i32
    %dma_wait3A_8 = arith.constant 0 : i32
    %dma_wait3A_9 = tpu.memref_slice %arg5[%dma_wait3A, %dma_wait3A_8] : memref<12288x1024xf32, #tpu.memory_space<hbm>> -> memref<12288x1024xf32, #tpu.memory_space<hbm>>
    tpu.wait_indirect_dma semaphore(%arg9 : memref<!tpu.dma_semaphore, #tpu.memory_space<semaphore_mem>>) src(%arg8 : memref<64x1024xf32, #tpu.memory_space<vmem>>) dst(%dma_wait3A_9 : memref<12288x1024xf32, #tpu.memory_space<hbm>>)
    %dma_wait3A_10 = arith.constant 0 : i32
    %dma_wait3A_11 = arith.constant 0 : i32
    %dma_wait3A_12 = tpu.memref_slice %arg5[%dma_wait3A_10, %dma_wait3A_11] : memref<12288x1024xf32, #tpu.memory_space<hbm>> -> memref<12288x1024xf32, #tpu.memory_space<hbm>>
    tpu.wait_indirect_dma semaphore(%arg10 : memref<!tpu.dma_semaphore, #tpu.memory_space<semaphore_mem>>) src(%arg8 : memref<64x1024xf32, #tpu.memory_space<vmem>>) dst(%dma_wait3A_12 : memref<12288x1024xf32, #tpu.memory_space<hbm>>)
    return
  }
}

module attributes {stable_mosaic.version = 14 : i64} {
  func.func @_gating_body(%arg0: memref<2048x1024xf32, #tpu.memory_space<vmem>>, %arg1: memref<1024x64xf32, #tpu.memory_space<vmem>>, %arg2: memref<2048x2xi32, #tpu.memory_space<vmem>>, %arg3: memref<2048x2xf32, #tpu.memory_space<vmem>>, %arg4: memref<96x1xi32, #tpu.memory_space<vmem>>, %arg5: memref<96x1xi32, #tpu.memory_space<vmem>>, %arg6: memref<1x1xf32, #tpu.memory_space<vmem>>) attributes {dimension_semantics = [], scalar_prefetch = 0 : i64, scratch_operands = 0 : i64, tpu.core_type = #tpu.core_type<tc>} {
    %get3A = arith.constant 0 : index
    %get3A_0 = arith.constant 0 : index
    %get3A_1 = vector.load %arg0[%get3A, %get3A_0] : memref<2048x1024xf32, #tpu.memory_space<vmem>>, vector<2048x1024xf32>
    %get3A_2 = arith.constant 0 : index
    %get3A_3 = arith.constant 0 : index
    %get3A_4 = vector.load %arg1[%get3A_2, %get3A_3] : memref<1024x64xf32, #tpu.memory_space<vmem>>, vector<1024x64xf32>
    %dot_general3A = arith.constant dense<0.000000e+00> : vector<2048x64xf32>
    %dot_general3A_5 = tpu.matmul %get3A_1, %get3A_4, %dot_general3A {dimension_numbers = #tpu.dot_dimension_numbers<[1], [0], [0], [1], [0, 0, 1, 1], [], []>, transpose_lhs_hint = false} : vector<2048x1024xf32>, vector<1024x64xf32>, vector<2048x64xf32> -> vector<2048x64xf32>
    %iota3A = tpu.iota {dimensions = array<i32: 1>} : vector<2048x64xi32>
    %reduce_max3A = arith.constant dense<0xFF800000> : vector<2048xf32>
    %reduce_max3A_6 = vector.multi_reduction <maximumf>, %dot_general3A_5, %reduce_max3A [1] : vector<2048x64xf32> to vector<2048xf32>
    %broadcast_in_dim3A = vector.shape_cast %reduce_max3A_6 : vector<2048xf32> to vector<2048x1xf32>
    %eq3A = vector.broadcast %broadcast_in_dim3A : vector<2048x1xf32> to vector<2048x64xf32>
    %eq3A_7 = arith.cmpf oeq, %dot_general3A_5, %eq3A : vector<2048x64xf32>
    %jit3A = arith.constant 64 : i32
    %broadcast_in_dim3A_8 = vector.broadcast %jit3A : i32 to vector<2048x64xi32>
    %select_n3A = arith.select %eq3A_7, %iota3A, %broadcast_in_dim3A_8 : vector<2048x64xi1>, vector<2048x64xi32>
    %reduce_min3A = arith.constant dense<2147483647> : vector<2048xi32>
    %reduce_min3A_9 = vector.multi_reduction <minsi>, %select_n3A, %reduce_min3A [1] : vector<2048x64xi32> to vector<2048xi32>
    %broadcast_in_dim3A_10 = vector.shape_cast %reduce_min3A_9 : vector<2048xi32> to vector<2048x1xi32>
    %eq3A_11 = vector.broadcast %broadcast_in_dim3A_10 : vector<2048x1xi32> to vector<2048x64xi32>
    %eq3A_12 = arith.cmpi eq, %iota3A, %eq3A_11 : vector<2048x64xi32>
    %jit3A_13 = arith.constant 0xFF800000 : f32
    %broadcast_in_dim3A_14 = vector.broadcast %jit3A_13 : f32 to vector<2048x64xf32>
    %select_n3A_15 = arith.select %eq3A_12, %broadcast_in_dim3A_14, %dot_general3A_5 : vector<2048x64xi1>, vector<2048x64xf32>
    %reduce_max3A_16 = arith.constant dense<0xFF800000> : vector<2048xf32>
    %reduce_max3A_17 = vector.multi_reduction <maximumf>, %select_n3A_15, %reduce_max3A_16 [1] : vector<2048x64xf32> to vector<2048xf32>
    %broadcast_in_dim3A_18 = vector.shape_cast %reduce_max3A_17 : vector<2048xf32> to vector<2048x1xf32>
    %eq3A_19 = vector.broadcast %broadcast_in_dim3A_18 : vector<2048x1xf32> to vector<2048x64xf32>
    %eq3A_20 = arith.cmpf oeq, %select_n3A_15, %eq3A_19 : vector<2048x64xf32>
    %jit3A_21 = arith.constant 64 : i32
    %broadcast_in_dim3A_22 = vector.broadcast %jit3A_21 : i32 to vector<2048x64xi32>
    %select_n3A_23 = arith.select %eq3A_20, %iota3A, %broadcast_in_dim3A_22 : vector<2048x64xi1>, vector<2048x64xi32>
    %reduce_min3A_24 = arith.constant dense<2147483647> : vector<2048xi32>
    %reduce_min3A_25 = vector.multi_reduction <minsi>, %select_n3A_23, %reduce_min3A_24 [1] : vector<2048x64xi32> to vector<2048xi32>
    %broadcast_in_dim3A_26 = vector.shape_cast %reduce_min3A_25 : vector<2048xi32> to vector<2048x1xi32>
    %eq3A_27 = vector.broadcast %broadcast_in_dim3A_26 : vector<2048x1xi32> to vector<2048x64xi32>
    %eq3A_28 = arith.cmpi eq, %iota3A, %eq3A_27 : vector<2048x64xi32>
    %sub3A = arith.subf %broadcast_in_dim3A_18, %broadcast_in_dim3A : vector<2048x1xf32>
    %exp3A = math.exp %sub3A : vector<2048x1xf32>
    %add3A = arith.constant 1.000000e+00 : f32
    %add3A_29 = vector.broadcast %add3A : f32 to vector<2048x1xf32>
    %add3A_30 = arith.addf %add3A_29, %exp3A : vector<2048x1xf32>
    %div3A = arith.constant 1.000000e+00 : f32
    %div3A_31 = vector.broadcast %div3A : f32 to vector<2048x1xf32>
    %div3A_32 = arith.divf %div3A_31, %add3A_30 : vector<2048x1xf32>
    %div3A_33 = arith.divf %exp3A, %add3A_30 : vector<2048x1xf32>
    %swap3A = arith.constant 0 : index
    %swap3A_34 = arith.constant 0 : index
    %swap3A_35 = vector.load %arg3[%swap3A, %swap3A_34] : memref<2048x2xf32, #tpu.memory_space<vmem>>, vector<2048x1xf32>
    tpu.vector_store %arg3[%swap3A, %swap3A_34], %div3A_32 {strides = array<i32>} : memref<2048x2xf32, #tpu.memory_space<vmem>>, vector<2048x1xf32>,
    %swap3A_36 = arith.constant 0 : index
    %swap3A_37 = arith.constant 1 : index
    %swap3A_38 = vector.load %arg3[%swap3A_36, %swap3A_37] : memref<2048x2xf32, #tpu.memory_space<vmem>>, vector<2048x1xf32>
    tpu.vector_store %arg3[%swap3A_36, %swap3A_37], %div3A_33 {strides = array<i32>} : memref<2048x2xf32, #tpu.memory_space<vmem>>, vector<2048x1xf32>,
    %or3A = arith.ori %eq3A_12, %eq3A_28 : vector<2048x64xi1>
    %convert_element_type3A = arith.extui %or3A : vector<2048x64xi1> to vector<2048x64xi32>
    %convert_element_type3A_39 = arith.sitofp %convert_element_type3A : vector<2048x64xi32> to vector<2048x64xf32>
    %iota3A_40 = tpu.iota {dimensions = array<i32: 0>} : vector<256x256xi32>
    %iota3A_41 = tpu.iota {dimensions = array<i32: 1>} : vector<256x256xi32>
    %gt3A = arith.cmpi sgt, %iota3A_40, %iota3A_41 : vector<256x256xi32>
    %convert_element_type3A_42 = arith.extui %gt3A : vector<256x256xi1> to vector<256x256xi32>
    %convert_element_type3A_43 = arith.sitofp %convert_element_type3A_42 : vector<256x256xi32> to vector<256x256xf32>
    %broadcast_in_dim3A_44 = arith.constant 0.000000e+00 : f32
    %broadcast_in_dim3A_45 = vector.broadcast %broadcast_in_dim3A_44 : f32 to vector<1x64xf32>
    %slice3A = vector.extract_strided_slice %convert_element_type3A_39 {offsets = [0, 0], sizes = [256, 64], strides = [1, 1]} : vector<2048x64xf32> to vector<256x64xf32>
    %dot_general3A_46 = arith.constant dense<0.000000e+00> : vector<256x64xf32>
    %dot_general3A_47 = tpu.matmul %convert_element_type3A_43, %slice3A, %dot_general3A_46 {dimension_numbers = #tpu.dot_dimension_numbers<[1], [0], [0], [1], [0, 0, 1, 1], [], []>, transpose_lhs_hint = false} : vector<256x256xf32>, vector<256x64xf32>, vector<256x64xf32> -> vector<256x64xf32>
    %add3A_48 = vector.broadcast %broadcast_in_dim3A_45 : vector<1x64xf32> to vector<256x64xf32>
    %add3A_49 = arith.addf %dot_general3A_47, %add3A_48 : vector<256x64xf32>
    %slice3A_50 = vector.extract_strided_slice %eq3A_12 {offsets = [0, 0], sizes = [256, 64], strides = [1, 1]} : vector<2048x64xi1> to vector<256x64xi1>
    %convert_element_type3A_51 = arith.extui %slice3A_50 : vector<256x64xi1> to vector<256x64xi32>
    %convert_element_type3A_52 = arith.sitofp %convert_element_type3A_51 : vector<256x64xi32> to vector<256x64xf32>
    %slice3A_53 = vector.extract_strided_slice %eq3A_28 {offsets = [0, 0], sizes = [256, 64], strides = [1, 1]} : vector<2048x64xi1> to vector<256x64xi1>
    %convert_element_type3A_54 = arith.extui %slice3A_53 : vector<256x64xi1> to vector<256x64xi32>
    %convert_element_type3A_55 = arith.sitofp %convert_element_type3A_54 : vector<256x64xi32> to vector<256x64xf32>
    %mul3A = arith.mulf %add3A_49, %convert_element_type3A_52 : vector<256x64xf32>
    %reduce_sum3A = arith.constant dense<0.000000e+00> : vector<256xf32>
    %reduce_sum3A_56 = vector.multi_reduction <add>, %mul3A, %reduce_sum3A [1] : vector<256x64xf32> to vector<256xf32>
    %broadcast_in_dim3A_57 = vector.shape_cast %reduce_sum3A_56 : vector<256xf32> to vector<256x1xf32>
    %mul3A_58 = arith.mulf %add3A_49, %convert_element_type3A_55 : vector<256x64xf32>
    %reduce_sum3A_59 = arith.constant dense<0.000000e+00> : vector<256xf32>
    %reduce_sum3A_60 = vector.multi_reduction <add>, %mul3A_58, %reduce_sum3A_59 [1] : vector<256x64xf32> to vector<256xf32>
    %broadcast_in_dim3A_61 = vector.shape_cast %reduce_sum3A_60 : vector<256xf32> to vector<256x1xf32>
    %reduce_sum3A_62 = arith.constant dense<0.000000e+00> : vector<64xf32>
    %reduce_sum3A_63 = vector.multi_reduction <add>, %slice3A, %reduce_sum3A_62 [0] : vector<256x64xf32> to vector<64xf32>
    %broadcast_in_dim3A_64 = vector.shape_cast %reduce_sum3A_63 : vector<64xf32> to vector<1x64xf32>
    %add3A_65 = arith.addf %broadcast_in_dim3A_45, %broadcast_in_dim3A_64 : vector<1x64xf32>
    %slice3A_66 = vector.extract_strided_slice %convert_element_type3A_39 {offsets = [256, 0], sizes = [256, 64], strides = [1, 1]} : vector<2048x64xf32> to vector<256x64xf32>
    %dot_general3A_67 = arith.constant dense<0.000000e+00> : vector<256x64xf32>
    %dot_general3A_68 = tpu.matmul %convert_element_type3A_43, %slice3A_66, %dot_general3A_67 {dimension_numbers = #tpu.dot_dimension_numbers<[1], [0], [0], [1], [0, 0, 1, 1], [], []>, transpose_lhs_hint = false} : vector<256x256xf32>, vector<256x64xf32>, vector<256x64xf32> -> vector<256x64xf32>
    %add3A_69 = vector.broadcast %add3A_65 : vector<1x64xf32> to vector<256x64xf32>
    %add3A_70 = arith.addf %dot_general3A_68, %add3A_69 : vector<256x64xf32>
    %slice3A_71 = vector.extract_strided_slice %eq3A_12 {offsets = [256, 0], sizes = [256, 64], strides = [1, 1]} : vector<2048x64xi1> to vector<256x64xi1>
    %convert_element_type3A_72 = arith.extui %slice3A_71 : vector<256x64xi1> to vector<256x64xi32>
    %convert_element_type3A_73 = arith.sitofp %convert_element_type3A_72 : vector<256x64xi32> to vector<256x64xf32>
    %slice3A_74 = vector.extract_strided_slice %eq3A_28 {offsets = [256, 0], sizes = [256, 64], strides = [1, 1]} : vector<2048x64xi1> to vector<256x64xi1>
    %convert_element_type3A_75 = arith.extui %slice3A_74 : vector<256x64xi1> to vector<256x64xi32>
    %convert_element_type3A_76 = arith.sitofp %convert_element_type3A_75 : vector<256x64xi32> to vector<256x64xf32>
    %mul3A_77 = arith.mulf %add3A_70, %convert_element_type3A_73 : vector<256x64xf32>
    %reduce_sum3A_78 = arith.constant dense<0.000000e+00> : vector<256xf32>
    %reduce_sum3A_79 = vector.multi_reduction <add>, %mul3A_77, %reduce_sum3A_78 [1] : vector<256x64xf32> to vector<256xf32>
    %broadcast_in_dim3A_80 = vector.shape_cast %reduce_sum3A_79 : vector<256xf32> to vector<256x1xf32>
    %mul3A_81 = arith.mulf %add3A_70, %convert_element_type3A_76 : vector<256x64xf32>
    %reduce_sum3A_82 = arith.constant dense<0.000000e+00> : vector<256xf32>
    %reduce_sum3A_83 = vector.multi_reduction <add>, %mul3A_81, %reduce_sum3A_82 [1] : vector<256x64xf32> to vector<256xf32>
    %broadcast_in_dim3A_84 = vector.shape_cast %reduce_sum3A_83 : vector<256xf32> to vector<256x1xf32>
    %reduce_sum3A_85 = arith.constant dense<0.000000e+00> : vector<64xf32>
    %reduce_sum3A_86 = vector.multi_reduction <add>, %slice3A_66, %reduce_sum3A_85 [0] : vector<256x64xf32> to vector<64xf32>
    %broadcast_in_dim3A_87 = vector.shape_cast %reduce_sum3A_86 : vector<64xf32> to vector<1x64xf32>
    %add3A_88 = arith.addf %add3A_65, %broadcast_in_dim3A_87 : vector<1x64xf32>
    %slice3A_89 = vector.extract_strided_slice %convert_element_type3A_39 {offsets = [512, 0], sizes = [256, 64], strides = [1, 1]} : vector<2048x64xf32> to vector<256x64xf32>
    %dot_general3A_90 = arith.constant dense<0.000000e+00> : vector<256x64xf32>
    %dot_general3A_91 = tpu.matmul %convert_element_type3A_43, %slice3A_89, %dot_general3A_90 {dimension_numbers = #tpu.dot_dimension_numbers<[1], [0], [0], [1], [0, 0, 1, 1], [], []>, transpose_lhs_hint = false} : vector<256x256xf32>, vector<256x64xf32>, vector<256x64xf32> -> vector<256x64xf32>
    %add3A_92 = vector.broadcast %add3A_88 : vector<1x64xf32> to vector<256x64xf32>
    %add3A_93 = arith.addf %dot_general3A_91, %add3A_92 : vector<256x64xf32>
    %slice3A_94 = vector.extract_strided_slice %eq3A_12 {offsets = [512, 0], sizes = [256, 64], strides = [1, 1]} : vector<2048x64xi1> to vector<256x64xi1>
    %convert_element_type3A_95 = arith.extui %slice3A_94 : vector<256x64xi1> to vector<256x64xi32>
    %convert_element_type3A_96 = arith.sitofp %convert_element_type3A_95 : vector<256x64xi32> to vector<256x64xf32>
    %slice3A_97 = vector.extract_strided_slice %eq3A_28 {offsets = [512, 0], sizes = [256, 64], strides = [1, 1]} : vector<2048x64xi1> to vector<256x64xi1>
    %convert_element_type3A_98 = arith.extui %slice3A_97 : vector<256x64xi1> to vector<256x64xi32>
    %convert_element_type3A_99 = arith.sitofp %convert_element_type3A_98 : vector<256x64xi32> to vector<256x64xf32>
    %mul3A_100 = arith.mulf %add3A_93, %convert_element_type3A_96 : vector<256x64xf32>
    %reduce_sum3A_101 = arith.constant dense<0.000000e+00> : vector<256xf32>
    %reduce_sum3A_102 = vector.multi_reduction <add>, %mul3A_100, %reduce_sum3A_101 [1] : vector<256x64xf32> to vector<256xf32>
    %broadcast_in_dim3A_103 = vector.shape_cast %reduce_sum3A_102 : vector<256xf32> to vector<256x1xf32>
    %mul3A_104 = arith.mulf %add3A_93, %convert_element_type3A_99 : vector<256x64xf32>
    %reduce_sum3A_105 = arith.constant dense<0.000000e+00> : vector<256xf32>
    %reduce_sum3A_106 = vector.multi_reduction <add>, %mul3A_104, %reduce_sum3A_105 [1] : vector<256x64xf32> to vector<256xf32>
    %broadcast_in_dim3A_107 = vector.shape_cast %reduce_sum3A_106 : vector<256xf32> to vector<256x1xf32>
    %reduce_sum3A_108 = arith.constant dense<0.000000e+00> : vector<64xf32>
    %reduce_sum3A_109 = vector.multi_reduction <add>, %slice3A_89, %reduce_sum3A_108 [0] : vector<256x64xf32> to vector<64xf32>
    %broadcast_in_dim3A_110 = vector.shape_cast %reduce_sum3A_109 : vector<64xf32> to vector<1x64xf32>
    %add3A_111 = arith.addf %add3A_88, %broadcast_in_dim3A_110 : vector<1x64xf32>
    %slice3A_112 = vector.extract_strided_slice %convert_element_type3A_39 {offsets = [768, 0], sizes = [256, 64], strides = [1, 1]} : vector<2048x64xf32> to vector<256x64xf32>
    %dot_general3A_113 = arith.constant dense<0.000000e+00> : vector<256x64xf32>
    %dot_general3A_114 = tpu.matmul %convert_element_type3A_43, %slice3A_112, %dot_general3A_113 {dimension_numbers = #tpu.dot_dimension_numbers<[1], [0], [0], [1], [0, 0, 1, 1], [], []>, transpose_lhs_hint = false} : vector<256x256xf32>, vector<256x64xf32>, vector<256x64xf32> -> vector<256x64xf32>
    %add3A_115 = vector.broadcast %add3A_111 : vector<1x64xf32> to vector<256x64xf32>
    %add3A_116 = arith.addf %dot_general3A_114, %add3A_115 : vector<256x64xf32>
    %slice3A_117 = vector.extract_strided_slice %eq3A_12 {offsets = [768, 0], sizes = [256, 64], strides = [1, 1]} : vector<2048x64xi1> to vector<256x64xi1>
    %convert_element_type3A_118 = arith.extui %slice3A_117 : vector<256x64xi1> to vector<256x64xi32>
    %convert_element_type3A_119 = arith.sitofp %convert_element_type3A_118 : vector<256x64xi32> to vector<256x64xf32>
    %slice3A_120 = vector.extract_strided_slice %eq3A_28 {offsets = [768, 0], sizes = [256, 64], strides = [1, 1]} : vector<2048x64xi1> to vector<256x64xi1>
    %convert_element_type3A_121 = arith.extui %slice3A_120 : vector<256x64xi1> to vector<256x64xi32>
    %convert_element_type3A_122 = arith.sitofp %convert_element_type3A_121 : vector<256x64xi32> to vector<256x64xf32>
    %mul3A_123 = arith.mulf %add3A_116, %convert_element_type3A_119 : vector<256x64xf32>
    %reduce_sum3A_124 = arith.constant dense<0.000000e+00> : vector<256xf32>
    %reduce_sum3A_125 = vector.multi_reduction <add>, %mul3A_123, %reduce_sum3A_124 [1] : vector<256x64xf32> to vector<256xf32>
    %broadcast_in_dim3A_126 = vector.shape_cast %reduce_sum3A_125 : vector<256xf32> to vector<256x1xf32>
    %mul3A_127 = arith.mulf %add3A_116, %convert_element_type3A_122 : vector<256x64xf32>
    %reduce_sum3A_128 = arith.constant dense<0.000000e+00> : vector<256xf32>
    %reduce_sum3A_129 = vector.multi_reduction <add>, %mul3A_127, %reduce_sum3A_128 [1] : vector<256x64xf32> to vector<256xf32>
    %broadcast_in_dim3A_130 = vector.shape_cast %reduce_sum3A_129 : vector<256xf32> to vector<256x1xf32>
    %reduce_sum3A_131 = arith.constant dense<0.000000e+00> : vector<64xf32>
    %reduce_sum3A_132 = vector.multi_reduction <add>, %slice3A_112, %reduce_sum3A_131 [0] : vector<256x64xf32> to vector<64xf32>
    %broadcast_in_dim3A_133 = vector.shape_cast %reduce_sum3A_132 : vector<64xf32> to vector<1x64xf32>
    %add3A_134 = arith.addf %add3A_111, %broadcast_in_dim3A_133 : vector<1x64xf32>
    %slice3A_135 = vector.extract_strided_slice %convert_element_type3A_39 {offsets = [1024, 0], sizes = [256, 64], strides = [1, 1]} : vector<2048x64xf32> to vector<256x64xf32>
    %dot_general3A_136 = arith.constant dense<0.000000e+00> : vector<256x64xf32>
    %dot_general3A_137 = tpu.matmul %convert_element_type3A_43, %slice3A_135, %dot_general3A_136 {dimension_numbers = #tpu.dot_dimension_numbers<[1], [0], [0], [1], [0, 0, 1, 1], [], []>, transpose_lhs_hint = false} : vector<256x256xf32>, vector<256x64xf32>, vector<256x64xf32> -> vector<256x64xf32>
    %add3A_138 = vector.broadcast %add3A_134 : vector<1x64xf32> to vector<256x64xf32>
    %add3A_139 = arith.addf %dot_general3A_137, %add3A_138 : vector<256x64xf32>
    %slice3A_140 = vector.extract_strided_slice %eq3A_12 {offsets = [1024, 0], sizes = [256, 64], strides = [1, 1]} : vector<2048x64xi1> to vector<256x64xi1>
    %convert_element_type3A_141 = arith.extui %slice3A_140 : vector<256x64xi1> to vector<256x64xi32>
    %convert_element_type3A_142 = arith.sitofp %convert_element_type3A_141 : vector<256x64xi32> to vector<256x64xf32>
    %slice3A_143 = vector.extract_strided_slice %eq3A_28 {offsets = [1024, 0], sizes = [256, 64], strides = [1, 1]} : vector<2048x64xi1> to vector<256x64xi1>
    %convert_element_type3A_144 = arith.extui %slice3A_143 : vector<256x64xi1> to vector<256x64xi32>
    %convert_element_type3A_145 = arith.sitofp %convert_element_type3A_144 : vector<256x64xi32> to vector<256x64xf32>
    %mul3A_146 = arith.mulf %add3A_139, %convert_element_type3A_142 : vector<256x64xf32>
    %reduce_sum3A_147 = arith.constant dense<0.000000e+00> : vector<256xf32>
    %reduce_sum3A_148 = vector.multi_reduction <add>, %mul3A_146, %reduce_sum3A_147 [1] : vector<256x64xf32> to vector<256xf32>
    %broadcast_in_dim3A_149 = vector.shape_cast %reduce_sum3A_148 : vector<256xf32> to vector<256x1xf32>
    %mul3A_150 = arith.mulf %add3A_139, %convert_element_type3A_145 : vector<256x64xf32>
    %reduce_sum3A_151 = arith.constant dense<0.000000e+00> : vector<256xf32>
    %reduce_sum3A_152 = vector.multi_reduction <add>, %mul3A_150, %reduce_sum3A_151 [1] : vector<256x64xf32> to vector<256xf32>
    %broadcast_in_dim3A_153 = vector.shape_cast %reduce_sum3A_152 : vector<256xf32> to vector<256x1xf32>
    %reduce_sum3A_154 = arith.constant dense<0.000000e+00> : vector<64xf32>
    %reduce_sum3A_155 = vector.multi_reduction <add>, %slice3A_135, %reduce_sum3A_154 [0] : vector<256x64xf32> to vector<64xf32>
    %broadcast_in_dim3A_156 = vector.shape_cast %reduce_sum3A_155 : vector<64xf32> to vector<1x64xf32>
    %add3A_157 = arith.addf %add3A_134, %broadcast_in_dim3A_156 : vector<1x64xf32>
    %slice3A_158 = vector.extract_strided_slice %convert_element_type3A_39 {offsets = [1280, 0], sizes = [256, 64], strides = [1, 1]} : vector<2048x64xf32> to vector<256x64xf32>
    %dot_general3A_159 = arith.constant dense<0.000000e+00> : vector<256x64xf32>
    %dot_general3A_160 = tpu.matmul %convert_element_type3A_43, %slice3A_158, %dot_general3A_159 {dimension_numbers = #tpu.dot_dimension_numbers<[1], [0], [0], [1], [0, 0, 1, 1], [], []>, transpose_lhs_hint = false} : vector<256x256xf32>, vector<256x64xf32>, vector<256x64xf32> -> vector<256x64xf32>
    %add3A_161 = vector.broadcast %add3A_157 : vector<1x64xf32> to vector<256x64xf32>
    %add3A_162 = arith.addf %dot_general3A_160, %add3A_161 : vector<256x64xf32>
    %slice3A_163 = vector.extract_strided_slice %eq3A_12 {offsets = [1280, 0], sizes = [256, 64], strides = [1, 1]} : vector<2048x64xi1> to vector<256x64xi1>
    %convert_element_type3A_164 = arith.extui %slice3A_163 : vector<256x64xi1> to vector<256x64xi32>
    %convert_element_type3A_165 = arith.sitofp %convert_element_type3A_164 : vector<256x64xi32> to vector<256x64xf32>
    %slice3A_166 = vector.extract_strided_slice %eq3A_28 {offsets = [1280, 0], sizes = [256, 64], strides = [1, 1]} : vector<2048x64xi1> to vector<256x64xi1>
    %convert_element_type3A_167 = arith.extui %slice3A_166 : vector<256x64xi1> to vector<256x64xi32>
    %convert_element_type3A_168 = arith.sitofp %convert_element_type3A_167 : vector<256x64xi32> to vector<256x64xf32>
    %mul3A_169 = arith.mulf %add3A_162, %convert_element_type3A_165 : vector<256x64xf32>
    %reduce_sum3A_170 = arith.constant dense<0.000000e+00> : vector<256xf32>
    %reduce_sum3A_171 = vector.multi_reduction <add>, %mul3A_169, %reduce_sum3A_170 [1] : vector<256x64xf32> to vector<256xf32>
    %broadcast_in_dim3A_172 = vector.shape_cast %reduce_sum3A_171 : vector<256xf32> to vector<256x1xf32>
    %mul3A_173 = arith.mulf %add3A_162, %convert_element_type3A_168 : vector<256x64xf32>
    %reduce_sum3A_174 = arith.constant dense<0.000000e+00> : vector<256xf32>
    %reduce_sum3A_175 = vector.multi_reduction <add>, %mul3A_173, %reduce_sum3A_174 [1] : vector<256x64xf32> to vector<256xf32>
    %broadcast_in_dim3A_176 = vector.shape_cast %reduce_sum3A_175 : vector<256xf32> to vector<256x1xf32>
    %reduce_sum3A_177 = arith.constant dense<0.000000e+00> : vector<64xf32>
    %reduce_sum3A_178 = vector.multi_reduction <add>, %slice3A_158, %reduce_sum3A_177 [0] : vector<256x64xf32> to vector<64xf32>
    %broadcast_in_dim3A_179 = vector.shape_cast %reduce_sum3A_178 : vector<64xf32> to vector<1x64xf32>
    %add3A_180 = arith.addf %add3A_157, %broadcast_in_dim3A_179 : vector<1x64xf32>
    %slice3A_181 = vector.extract_strided_slice %convert_element_type3A_39 {offsets = [1536, 0], sizes = [256, 64], strides = [1, 1]} : vector<2048x64xf32> to vector<256x64xf32>
    %dot_general3A_182 = arith.constant dense<0.000000e+00> : vector<256x64xf32>
    %dot_general3A_183 = tpu.matmul %convert_element_type3A_43, %slice3A_181, %dot_general3A_182 {dimension_numbers = #tpu.dot_dimension_numbers<[1], [0], [0], [1], [0, 0, 1, 1], [], []>, transpose_lhs_hint = false} : vector<256x256xf32>, vector<256x64xf32>, vector<256x64xf32> -> vector<256x64xf32>
    %add3A_184 = vector.broadcast %add3A_180 : vector<1x64xf32> to vector<256x64xf32>
    %add3A_185 = arith.addf %dot_general3A_183, %add3A_184 : vector<256x64xf32>
    %slice3A_186 = vector.extract_strided_slice %eq3A_12 {offsets = [1536, 0], sizes = [256, 64], strides = [1, 1]} : vector<2048x64xi1> to vector<256x64xi1>
    %convert_element_type3A_187 = arith.extui %slice3A_186 : vector<256x64xi1> to vector<256x64xi32>
    %convert_element_type3A_188 = arith.sitofp %convert_element_type3A_187 : vector<256x64xi32> to vector<256x64xf32>
    %slice3A_189 = vector.extract_strided_slice %eq3A_28 {offsets = [1536, 0], sizes = [256, 64], strides = [1, 1]} : vector<2048x64xi1> to vector<256x64xi1>
    %convert_element_type3A_190 = arith.extui %slice3A_189 : vector<256x64xi1> to vector<256x64xi32>
    %convert_element_type3A_191 = arith.sitofp %convert_element_type3A_190 : vector<256x64xi32> to vector<256x64xf32>
    %mul3A_192 = arith.mulf %add3A_185, %convert_element_type3A_188 : vector<256x64xf32>
    %reduce_sum3A_193 = arith.constant dense<0.000000e+00> : vector<256xf32>
    %reduce_sum3A_194 = vector.multi_reduction <add>, %mul3A_192, %reduce_sum3A_193 [1] : vector<256x64xf32> to vector<256xf32>
    %broadcast_in_dim3A_195 = vector.shape_cast %reduce_sum3A_194 : vector<256xf32> to vector<256x1xf32>
    %mul3A_196 = arith.mulf %add3A_185, %convert_element_type3A_191 : vector<256x64xf32>
    %reduce_sum3A_197 = arith.constant dense<0.000000e+00> : vector<256xf32>
    %reduce_sum3A_198 = vector.multi_reduction <add>, %mul3A_196, %reduce_sum3A_197 [1] : vector<256x64xf32> to vector<256xf32>
    %broadcast_in_dim3A_199 = vector.shape_cast %reduce_sum3A_198 : vector<256xf32> to vector<256x1xf32>
    %reduce_sum3A_200 = arith.constant dense<0.000000e+00> : vector<64xf32>
    %reduce_sum3A_201 = vector.multi_reduction <add>, %slice3A_181, %reduce_sum3A_200 [0] : vector<256x64xf32> to vector<64xf32>
    %broadcast_in_dim3A_202 = vector.shape_cast %reduce_sum3A_201 : vector<64xf32> to vector<1x64xf32>
    %add3A_203 = arith.addf %add3A_180, %broadcast_in_dim3A_202 : vector<1x64xf32>
    %slice3A_204 = vector.extract_strided_slice %convert_element_type3A_39 {offsets = [1792, 0], sizes = [256, 64], strides = [1, 1]} : vector<2048x64xf32> to vector<256x64xf32>
    %dot_general3A_205 = arith.constant dense<0.000000e+00> : vector<256x64xf32>
    %dot_general3A_206 = tpu.matmul %convert_element_type3A_43, %slice3A_204, %dot_general3A_205 {dimension_numbers = #tpu.dot_dimension_numbers<[1], [0], [0], [1], [0, 0, 1, 1], [], []>, transpose_lhs_hint = false} : vector<256x256xf32>, vector<256x64xf32>, vector<256x64xf32> -> vector<256x64xf32>
    %add3A_207 = vector.broadcast %add3A_203 : vector<1x64xf32> to vector<256x64xf32>
    %add3A_208 = arith.addf %dot_general3A_206, %add3A_207 : vector<256x64xf32>
    %slice3A_209 = vector.extract_strided_slice %eq3A_12 {offsets = [1792, 0], sizes = [256, 64], strides = [1, 1]} : vector<2048x64xi1> to vector<256x64xi1>
    %convert_element_type3A_210 = arith.extui %slice3A_209 : vector<256x64xi1> to vector<256x64xi32>
    %convert_element_type3A_211 = arith.sitofp %convert_element_type3A_210 : vector<256x64xi32> to vector<256x64xf32>
    %slice3A_212 = vector.extract_strided_slice %eq3A_28 {offsets = [1792, 0], sizes = [256, 64], strides = [1, 1]} : vector<2048x64xi1> to vector<256x64xi1>
    %convert_element_type3A_213 = arith.extui %slice3A_212 : vector<256x64xi1> to vector<256x64xi32>
    %convert_element_type3A_214 = arith.sitofp %convert_element_type3A_213 : vector<256x64xi32> to vector<256x64xf32>
    %mul3A_215 = arith.mulf %add3A_208, %convert_element_type3A_211 : vector<256x64xf32>
    %reduce_sum3A_216 = arith.constant dense<0.000000e+00> : vector<256xf32>
    %reduce_sum3A_217 = vector.multi_reduction <add>, %mul3A_215, %reduce_sum3A_216 [1] : vector<256x64xf32> to vector<256xf32>
    %broadcast_in_dim3A_218 = vector.shape_cast %reduce_sum3A_217 : vector<256xf32> to vector<256x1xf32>
    %mul3A_219 = arith.mulf %add3A_208, %convert_element_type3A_214 : vector<256x64xf32>
    %reduce_sum3A_220 = arith.constant dense<0.000000e+00> : vector<256xf32>
    %reduce_sum3A_221 = vector.multi_reduction <add>, %mul3A_219, %reduce_sum3A_220 [1] : vector<256x64xf32> to vector<256xf32>
    %broadcast_in_dim3A_222 = vector.shape_cast %reduce_sum3A_221 : vector<256xf32> to vector<256x1xf32>
    %reduce_sum3A_223 = arith.constant dense<0.000000e+00> : vector<64xf32>
    %reduce_sum3A_224 = vector.multi_reduction <add>, %slice3A_204, %reduce_sum3A_223 [0] : vector<256x64xf32> to vector<64xf32>
    %broadcast_in_dim3A_225 = vector.shape_cast %reduce_sum3A_224 : vector<64xf32> to vector<1x64xf32>
    %add3A_226 = arith.addf %add3A_203, %broadcast_in_dim3A_225 : vector<1x64xf32>
    %concatenate3A = tpu.concatenate %broadcast_in_dim3A_57, %broadcast_in_dim3A_80, %broadcast_in_dim3A_103, %broadcast_in_dim3A_126, %broadcast_in_dim3A_149, %broadcast_in_dim3A_172, %broadcast_in_dim3A_195, %broadcast_in_dim3A_218 in 0 : vector<256x1xf32>, vector<256x1xf32>, vector<256x1xf32>, vector<256x1xf32>, vector<256x1xf32>, vector<256x1xf32>, vector<256x1xf32>, vector<256x1xf32> -> vector<2048x1xf32>
    %concatenate3A_227 = tpu.concatenate %broadcast_in_dim3A_61, %broadcast_in_dim3A_84, %broadcast_in_dim3A_107, %broadcast_in_dim3A_130, %broadcast_in_dim3A_153, %broadcast_in_dim3A_176, %broadcast_in_dim3A_199, %broadcast_in_dim3A_222 in 0 : vector<256x1xf32>, vector<256x1xf32>, vector<256x1xf32>, vector<256x1xf32>, vector<256x1xf32>, vector<256x1xf32>, vector<256x1xf32>, vector<256x1xf32> -> vector<2048x1xf32>
    %add3A_228 = arith.constant 1.270000e+02 : f32
    %add3A_229 = vector.broadcast %add3A_228 : f32 to vector<1x64xf32>
    %add3A_230 = arith.addf %add3A_226, %add3A_229 : vector<1x64xf32>
    %mul3A_231 = arith.constant 7.812500e-03 : f32
    %mul3A_232 = vector.broadcast %mul3A_231 : f32 to vector<1x64xf32>
    %mul3A_233 = arith.mulf %add3A_230, %mul3A_232 : vector<1x64xf32>
    %floor3A = math.floor %mul3A_233 : vector<1x64xf32>
    %iota3A_234 = tpu.iota {dimensions = array<i32: 0>} : vector<64x64xi32>
    %iota3A_235 = tpu.iota {dimensions = array<i32: 1>} : vector<64x64xi32>
    %le3A = arith.cmpi sle, %iota3A_234, %iota3A_235 : vector<64x64xi32>
    %convert_element_type3A_236 = arith.extui %le3A : vector<64x64xi1> to vector<64x64xi32>
    %convert_element_type3A_237 = arith.sitofp %convert_element_type3A_236 : vector<64x64xi32> to vector<64x64xf32>
    %dot_general3A_238 = arith.constant dense<0.000000e+00> : vector<1x64xf32>
    %dot_general3A_239 = tpu.matmul %floor3A, %convert_element_type3A_237, %dot_general3A_238 {dimension_numbers = #tpu.dot_dimension_numbers<[1], [0], [0], [1], [0, 0, 1, 1], [], []>, transpose_lhs_hint = false} : vector<1x64xf32>, vector<64x64xf32>, vector<1x64xf32> -> vector<1x64xf32>
    %sub3A_240 = arith.subf %dot_general3A_239, %floor3A : vector<1x64xf32>
    %mul3A_241 = arith.constant 1.280000e+02 : f32
    %mul3A_242 = vector.broadcast %mul3A_241 : f32 to vector<1x64xf32>
    %mul3A_243 = arith.mulf %sub3A_240, %mul3A_242 : vector<1x64xf32>
    %convert_element_type3A_244 = arith.extui %eq3A_12 : vector<2048x64xi1> to vector<2048x64xi32>
    %convert_element_type3A_245 = arith.sitofp %convert_element_type3A_244 : vector<2048x64xi32> to vector<2048x64xf32>
    %mul3A_246 = vector.broadcast %mul3A_243 : vector<1x64xf32> to vector<2048x64xf32>
    %mul3A_247 = arith.mulf %convert_element_type3A_245, %mul3A_246 : vector<2048x64xf32>
    %reduce_sum3A_248 = arith.constant dense<0.000000e+00> : vector<2048xf32>
    %reduce_sum3A_249 = vector.multi_reduction <add>, %mul3A_247, %reduce_sum3A_248 [1] : vector<2048x64xf32> to vector<2048xf32>
    %broadcast_in_dim3A_250 = vector.shape_cast %reduce_sum3A_249 : vector<2048xf32> to vector<2048x1xf32>
    %convert_element_type3A_251 = arith.extui %eq3A_28 : vector<2048x64xi1> to vector<2048x64xi32>
    %convert_element_type3A_252 = arith.sitofp %convert_element_type3A_251 : vector<2048x64xi32> to vector<2048x64xf32>
    %mul3A_253 = vector.broadcast %mul3A_243 : vector<1x64xf32> to vector<2048x64xf32>
    %mul3A_254 = arith.mulf %convert_element_type3A_252, %mul3A_253 : vector<2048x64xf32>
    %reduce_sum3A_255 = arith.constant dense<0.000000e+00> : vector<2048xf32>
    %reduce_sum3A_256 = vector.multi_reduction <add>, %mul3A_254, %reduce_sum3A_255 [1] : vector<2048x64xf32> to vector<2048xf32>
    %broadcast_in_dim3A_257 = vector.shape_cast %reduce_sum3A_256 : vector<2048xf32> to vector<2048x1xf32>
    %add3A_258 = arith.addf %broadcast_in_dim3A_250, %concatenate3A : vector<2048x1xf32>
    %convert_element_type3A_259 = arith.fptosi %add3A_258 : vector<2048x1xf32> to vector<2048x1xi32>
    %swap3A_260 = arith.constant 0 : index
    %swap3A_261 = arith.constant 0 : index
    %swap3A_262 = vector.load %arg2[%swap3A_260, %swap3A_261] : memref<2048x2xi32, #tpu.memory_space<vmem>>, vector<2048x1xi32>
    tpu.vector_store %arg2[%swap3A_260, %swap3A_261], %convert_element_type3A_259 {strides = array<i32>} : memref<2048x2xi32, #tpu.memory_space<vmem>>, vector<2048x1xi32>,
    %add3A_263 = arith.addf %broadcast_in_dim3A_257, %concatenate3A_227 : vector<2048x1xf32>
    %convert_element_type3A_264 = arith.fptosi %add3A_263 : vector<2048x1xf32> to vector<2048x1xi32>
    %swap3A_265 = arith.constant 0 : index
    %swap3A_266 = arith.constant 1 : index
    %swap3A_267 = vector.load %arg2[%swap3A_265, %swap3A_266] : memref<2048x2xi32, #tpu.memory_space<vmem>>, vector<2048x1xi32>
    tpu.vector_store %arg2[%swap3A_265, %swap3A_266], %convert_element_type3A_264 {strides = array<i32>} : memref<2048x2xi32, #tpu.memory_space<vmem>>, vector<2048x1xi32>,
    %slice3A_268 = vector.extract_strided_slice %dot_general3A_239 {offsets = [0, 63], sizes = [1, 1], strides = [1, 1]} : vector<1x64xf32> to vector<1x1xf32>
    %convert_element_type3A_269 = arith.fptosi %slice3A_268 : vector<1x1xf32> to vector<1x1xi32>
    %iota3A_270 = tpu.iota {dimensions = array<i32: 0>} : vector<96x64xi32>
    %squeeze3A = vector.extract %convert_element_type3A_269[0, 0] : i32 from vector<1x1xi32>
    %sub3A_271 = arith.constant 1 : i32
    %sub3A_272 = arith.subi %squeeze3A, %sub3A_271 : i32
    %min3A = vector.broadcast %sub3A_272 : i32 to vector<96x64xi32>
    %min3A_273 = arith.minsi %iota3A_270, %min3A : vector<96x64xi32>
    %slice3A_274 = vector.extract_strided_slice %min3A_273 {offsets = [0, 0], sizes = [96, 1], strides = [1, 1]} : vector<96x64xi32> to vector<96x1xi32>
    %swap3A_275 = arith.constant 0 : index
    %swap3A_276 = arith.constant 0 : index
    %swap3A_277 = vector.load %arg5[%swap3A_275, %swap3A_276] : memref<96x1xi32, #tpu.memory_space<vmem>>, vector<96x1xi32>
    tpu.vector_store %arg5[%swap3A_275, %swap3A_276], %slice3A_274 {strides = array<i32>} : memref<96x1xi32, #tpu.memory_space<vmem>>, vector<96x1xi32>,
    %convert_element_type3A_278 = arith.fptosi %dot_general3A_239 : vector<1x64xf32> to vector<1x64xi32>
    %broadcast_in_dim3A_279 = vector.shape_cast %convert_element_type3A_278 : vector<1x64xi32> to vector<1x64xi32>
    %broadcast_in_dim3A_280 = vector.broadcast %broadcast_in_dim3A_279 : vector<1x64xi32> to vector<96x64xi32>
    %le3A_281 = arith.cmpi sle, %broadcast_in_dim3A_280, %min3A_273 : vector<96x64xi32>
    %convert_element_type3A_282 = arith.extui %le3A_281 : vector<96x64xi1> to vector<96x64xi32>
    %reduce_sum3A_283 = arith.constant dense<0> : vector<96xi32>
    %reduce_sum3A_284 = vector.multi_reduction <add>, %convert_element_type3A_282, %reduce_sum3A_283 [1] : vector<96x64xi32> to vector<96xi32>
    %broadcast_in_dim3A_285 = vector.shape_cast %reduce_sum3A_284 : vector<96xi32> to vector<96x1xi32>
    %min3A_286 = arith.constant 63 : i32
    %min3A_287 = vector.broadcast %min3A_286 : i32 to vector<96x1xi32>
    %min3A_288 = arith.minsi %broadcast_in_dim3A_285, %min3A_287 : vector<96x1xi32>
    %swap3A_289 = arith.constant 0 : index
    %swap3A_290 = arith.constant 0 : index
    %swap3A_291 = vector.load %arg4[%swap3A_289, %swap3A_290] : memref<96x1xi32, #tpu.memory_space<vmem>>, vector<96x1xi32>
    tpu.vector_store %arg4[%swap3A_289, %swap3A_290], %min3A_288 {strides = array<i32>} : memref<96x1xi32, #tpu.memory_space<vmem>>, vector<96x1xi32>,
    %jit3A_292 = arith.constant 0.000000e+00 : f32
    %broadcast_in_dim3A_293 = vector.shape_cast %div3A_32 : vector<2048x1xf32> to vector<2048x1xf32>
    %broadcast_in_dim3A_294 = vector.broadcast %broadcast_in_dim3A_293 : vector<2048x1xf32> to vector<2048x64xf32>
    %broadcast_in_dim3A_295 = vector.broadcast %jit3A_292 : f32 to vector<2048x64xf32>
    %select_n3A_296 = arith.select %eq3A_12, %broadcast_in_dim3A_294, %broadcast_in_dim3A_295 : vector<2048x64xi1>, vector<2048x64xf32>
    %jit3A_297 = arith.constant 0.000000e+00 : f32
    %broadcast_in_dim3A_298 = vector.shape_cast %div3A_33 : vector<2048x1xf32> to vector<2048x1xf32>
    %broadcast_in_dim3A_299 = vector.broadcast %broadcast_in_dim3A_298 : vector<2048x1xf32> to vector<2048x64xf32>
    %broadcast_in_dim3A_300 = vector.broadcast %jit3A_297 : f32 to vector<2048x64xf32>
    %select_n3A_301 = arith.select %eq3A_28, %broadcast_in_dim3A_299, %broadcast_in_dim3A_300 : vector<2048x64xi1>, vector<2048x64xf32>
    %add3A_302 = arith.addf %select_n3A_296, %select_n3A_301 : vector<2048x64xf32>
    %reduce_sum3A_303 = arith.constant dense<0.000000e+00> : vector<64xf32>
    %reduce_sum3A_304 = vector.multi_reduction <add>, %add3A_302, %reduce_sum3A_303 [0] : vector<2048x64xf32> to vector<64xf32>
    %broadcast_in_dim3A_305 = vector.shape_cast %reduce_sum3A_304 : vector<64xf32> to vector<1x64xf32>
    %reduce_sum3A_306 = vector.shape_cast %broadcast_in_dim3A_305 : vector<1x64xf32> to vector<1x1x64xf32>
    %reduce_sum3A_307 = arith.constant dense<0.000000e+00> : vector<1xf32>
    %reduce_sum3A_308 = vector.multi_reduction <add>, %reduce_sum3A_306, %reduce_sum3A_307 [1, 2] : vector<1x1x64xf32> to vector<1xf32>
    %reduce_sum3A_309 = vector.shape_cast %reduce_sum3A_308 : vector<1xf32> to vector<1x1x1xf32>
    %reduce_sum3A_310 = vector.extract %reduce_sum3A_309[0, 0, 0] : f32 from vector<1x1x1xf32>
    %div3A_311 = arith.constant 6.400000e+01 : f32
    %div3A_312 = arith.divf %reduce_sum3A_310, %div3A_311 : f32
    %sub3A_313 = vector.broadcast %div3A_312 : f32 to vector<1x64xf32>
    %sub3A_314 = arith.subf %broadcast_in_dim3A_305, %sub3A_313 : vector<1x64xf32>
    %integer_pow3A = arith.mulf %sub3A_314, %sub3A_314 : vector<1x64xf32>
    %reduce_sum3A_315 = vector.shape_cast %integer_pow3A : vector<1x64xf32> to vector<1x1x64xf32>
    %reduce_sum3A_316 = arith.constant dense<0.000000e+00> : vector<1xf32>
    %reduce_sum3A_317 = vector.multi_reduction <add>, %reduce_sum3A_315, %reduce_sum3A_316 [1, 2] : vector<1x1x64xf32> to vector<1xf32>
    %reduce_sum3A_318 = vector.shape_cast %reduce_sum3A_317 : vector<1xf32> to vector<1x1x1xf32>
    %reduce_sum3A_319 = vector.extract %reduce_sum3A_318[0, 0, 0] : f32 from vector<1x1x1xf32>
    %div3A_320 = arith.constant 6.300000e+01 : f32
    %div3A_321 = arith.divf %reduce_sum3A_319, %div3A_320 : f32
    %mul3A_322 = arith.mulf %div3A_312, %div3A_312 : f32
    %add3A_323 = arith.constant 1.000000e-10 : f32
    %add3A_324 = arith.addf %mul3A_322, %add3A_323 : f32
    %div3A_325 = arith.divf %div3A_321, %add3A_324 : f32
    %reduce_sum3A_326 = vector.shape_cast %add3A_226 : vector<1x64xf32> to vector<1x1x64xf32>
    %reduce_sum3A_327 = arith.constant dense<0.000000e+00> : vector<1xf32>
    %reduce_sum3A_328 = vector.multi_reduction <add>, %reduce_sum3A_326, %reduce_sum3A_327 [1, 2] : vector<1x1x64xf32> to vector<1xf32>
    %reduce_sum3A_329 = vector.shape_cast %reduce_sum3A_328 : vector<1xf32> to vector<1x1x1xf32>
    %reduce_sum3A_330 = vector.extract %reduce_sum3A_329[0, 0, 0] : f32 from vector<1x1x1xf32>
    %div3A_331 = arith.constant 6.400000e+01 : f32
    %div3A_332 = arith.divf %reduce_sum3A_330, %div3A_331 : f32
    %sub3A_333 = vector.broadcast %div3A_332 : f32 to vector<1x64xf32>
    %sub3A_334 = arith.subf %add3A_226, %sub3A_333 : vector<1x64xf32>
    %integer_pow3A_335 = arith.mulf %sub3A_334, %sub3A_334 : vector<1x64xf32>
    %reduce_sum3A_336 = vector.shape_cast %integer_pow3A_335 : vector<1x64xf32> to vector<1x1x64xf32>
    %reduce_sum3A_337 = arith.constant dense<0.000000e+00> : vector<1xf32>
    %reduce_sum3A_338 = vector.multi_reduction <add>, %reduce_sum3A_336, %reduce_sum3A_337 [1, 2] : vector<1x1x64xf32> to vector<1xf32>
    %reduce_sum3A_339 = vector.shape_cast %reduce_sum3A_338 : vector<1xf32> to vector<1x1x1xf32>
    %reduce_sum3A_340 = vector.extract %reduce_sum3A_339[0, 0, 0] : f32 from vector<1x1x1xf32>
    %div3A_341 = arith.constant 6.300000e+01 : f32
    %div3A_342 = arith.divf %reduce_sum3A_340, %div3A_341 : f32
    %mul3A_343 = arith.mulf %div3A_332, %div3A_332 : f32
    %add3A_344 = arith.constant 1.000000e-10 : f32
    %add3A_345 = arith.addf %mul3A_343, %add3A_344 : f32
    %div3A_346 = arith.divf %div3A_342, %add3A_345 : f32
    %add3A_347 = arith.addf %div3A_325, %div3A_346 : f32
    %mul3A_348 = arith.constant 0.00999999977 : f32
    %mul3A_349 = arith.mulf %add3A_347, %mul3A_348 : f32
    %broadcast_in_dim3A_350 = vector.broadcast %mul3A_349 : f32 to vector<1x1xf32>
    %swap3A_351 = arith.constant 0 : index
    %swap3A_352 = arith.constant 0 : index
    %swap3A_353 = vector.load %arg6[%swap3A_351, %swap3A_352] : memref<1x1xf32, #tpu.memory_space<vmem>>, vector<1x1xf32>
    tpu.vector_store %arg6[%swap3A_351, %swap3A_352], %broadcast_in_dim3A_350 {strides = array<i32>} : memref<1x1xf32, #tpu.memory_space<vmem>>, vector<1x1xf32>,
    return
  }
}

module attributes {stable_mosaic.version = 14 : i64} {
  func.func @_mlp_body(%arg0: i32, %arg1: memref<96xi32, #tpu.memory_space<smem>>, %arg2: memref<96xi32, #tpu.memory_space<smem>>, %arg3: memref<128x1024xf32, #tpu.memory_space<vmem>>, %arg4: memref<1x1024x512xf32, #tpu.memory_space<vmem>>, %arg5: memref<1x1x512xf32, #tpu.memory_space<vmem>>, %arg6: memref<1x512x1024xf32, #tpu.memory_space<vmem>>, %arg7: memref<1x1x1024xf32, #tpu.memory_space<vmem>>, %arg8: memref<128x1024xf32, #tpu.memory_space<vmem>>) attributes {dimension_semantics = [#tpu.dimension_semantics<arbitrary>], iteration_bounds = array<i64: 96>, scalar_prefetch = 2 : i64, scratch_operands = 0 : i64, tpu.core_type = #tpu.core_type<tc>, window_params = [{transform_indices = @transform_0, window_bounds = array<i64: 128, 1024>}, {transform_indices = @transform_1, window_bounds = array<i64: 1, 1024, 512>}, {transform_indices = @transform_2, window_bounds = array<i64: 1, 1, 512>}, {transform_indices = @transform_3, window_bounds = array<i64: 1, 512, 1024>}, {transform_indices = @transform_4, window_bounds = array<i64: 1, 1, 1024>}, {transform_indices = @transform_5, window_bounds = array<i64: 128, 1024>}]} {
    %get3A = arith.index_cast %arg0 : i32 to index
    %get3A_0 = memref.load %arg2[%get3A] : memref<96xi32, #tpu.memory_space<smem>>
    %eq3A = arith.cmpi eq, %get3A_0, %arg0 : i32
    %convert_element_type3A = arith.extui %eq3A : i1 to i32
    %cond3A = arith.constant 0 : i32
    %cond3A_1 = arith.cmpi ne, %convert_element_type3A, %cond3A : i32
    scf.if %cond3A_1 {
      %get3A_2 = arith.constant 0 : index
      %get3A_3 = arith.constant 0 : index
      %get3A_4 = vector.load %arg3[%get3A_2, %get3A_3] : memref<128x1024xf32, #tpu.memory_space<vmem>>, vector<128x1024xf32>
      %get3A_5 = arith.constant 0 : index
      %get3A_6 = arith.constant 0 : index
      %get3A_7 = arith.constant 0 : index
      %get3A_8 = vector.load %arg4[%get3A_5, %get3A_6, %get3A_7] : memref<1x1024x512xf32, #tpu.memory_space<vmem>>, vector<1x1024x512xf32>
      %get3A_9 = vector.shape_cast %get3A_8 : vector<1x1024x512xf32> to vector<1024x512xf32>
      %dot_general3A = arith.constant dense<0.000000e+00> : vector<128x512xf32>
      %dot_general3A_10 = tpu.matmul %get3A_4, %get3A_9, %dot_general3A {dimension_numbers = #tpu.dot_dimension_numbers<[1], [0], [0], [1], [0, 0, 1, 1], [], []>, transpose_lhs_hint = false} : vector<128x1024xf32>, vector<1024x512xf32>, vector<128x512xf32> -> vector<128x512xf32>
      %get3A_11 = arith.constant 0 : index
      %get3A_12 = arith.constant 0 : index
      %get3A_13 = arith.constant 0 : index
      %get3A_14 = vector.load %arg5[%get3A_11, %get3A_12, %get3A_13] : memref<1x1x512xf32, #tpu.memory_space<vmem>>, vector<1x1x512xf32>
      %get3A_15 = vector.shape_cast %get3A_14 : vector<1x1x512xf32> to vector<1x512xf32>
      %add3A = vector.broadcast %get3A_15 : vector<1x512xf32> to vector<128x512xf32>
      %add3A_16 = arith.addf %dot_general3A_10, %add3A : vector<128x512xf32>
      %max3A = arith.constant 0.000000e+00 : f32
      %max3A_17 = vector.broadcast %max3A : f32 to vector<128x512xf32>
      %max3A_18 = arith.maximumf %add3A_16, %max3A_17 : vector<128x512xf32>
      %get3A_19 = arith.constant 0 : index
      %get3A_20 = arith.constant 0 : index
      %get3A_21 = arith.constant 0 : index
      %get3A_22 = vector.load %arg6[%get3A_19, %get3A_20, %get3A_21] : memref<1x512x1024xf32, #tpu.memory_space<vmem>>, vector<1x512x1024xf32>
      %get3A_23 = vector.shape_cast %get3A_22 : vector<1x512x1024xf32> to vector<512x1024xf32>
      %dot_general3A_24 = arith.constant dense<0.000000e+00> : vector<128x1024xf32>
      %dot_general3A_25 = tpu.matmul %max3A_18, %get3A_23, %dot_general3A_24 {dimension_numbers = #tpu.dot_dimension_numbers<[1], [0], [0], [1], [0, 0, 1, 1], [], []>, transpose_lhs_hint = false} : vector<128x512xf32>, vector<512x1024xf32>, vector<128x1024xf32> -> vector<128x1024xf32>
      %get3A_26 = arith.constant 0 : index
      %get3A_27 = arith.constant 0 : index
      %get3A_28 = arith.constant 0 : index
      %get3A_29 = vector.load %arg7[%get3A_26, %get3A_27, %get3A_28] : memref<1x1x1024xf32, #tpu.memory_space<vmem>>, vector<1x1x1024xf32>
      %get3A_30 = vector.shape_cast %get3A_29 : vector<1x1x1024xf32> to vector<1x1024xf32>
      %add3A_31 = vector.broadcast %get3A_30 : vector<1x1024xf32> to vector<128x1024xf32>
      %add3A_32 = arith.addf %dot_general3A_25, %add3A_31 : vector<128x1024xf32>
      %swap3A = arith.constant 0 : index
      %swap3A_33 = arith.constant 0 : index
      %swap3A_34 = vector.load %arg8[%swap3A, %swap3A_33] : memref<128x1024xf32, #tpu.memory_space<vmem>>, vector<128x1024xf32>
      tpu.vector_store %arg8[%swap3A, %swap3A_33], %add3A_32 {strides = array<i32>} : memref<128x1024xf32, #tpu.memory_space<vmem>>, vector<128x1024xf32>,
    } else {
    }
    return
  }
  func.func @transform_0(%arg0: i32, %arg1: memref<96xi32, #tpu.memory_space<smem>>, %arg2: memref<96xi32, #tpu.memory_space<smem>>) -> (i32, i32) {
    %get3A = arith.index_cast %arg0 : i32 to index
    %get3A_0 = memref.load %arg2[%get3A] : memref<96xi32, #tpu.memory_space<smem>>
    %c0_i32 = arith.constant 0 : i32
    %c0_i32_1 = arith.constant 0 : i32
    return %get3A_0, %c0_i32 : i32, i32
  }
  func.func @transform_1(%arg0: i32, %arg1: memref<96xi32, #tpu.memory_space<smem>>, %arg2: memref<96xi32, #tpu.memory_space<smem>>) -> (i32, i32, i32) {
    %get3A = arith.index_cast %arg0 : i32 to index
    %get3A_0 = memref.load %arg1[%get3A] : memref<96xi32, #tpu.memory_space<smem>>
    %c0_i32 = arith.constant 0 : i32
    %c0_i32_1 = arith.constant 0 : i32
    %c0_i32_2 = arith.constant 0 : i32
    return %get3A_0, %c0_i32, %c0_i32_1 : i32, i32, i32
  }
  func.func @transform_2(%arg0: i32, %arg1: memref<96xi32, #tpu.memory_space<smem>>, %arg2: memref<96xi32, #tpu.memory_space<smem>>) -> (i32, i32, i32) {
    %get3A = arith.index_cast %arg0 : i32 to index
    %get3A_0 = memref.load %arg1[%get3A] : memref<96xi32, #tpu.memory_space<smem>>
    %c0_i32 = arith.constant 0 : i32
    %c0_i32_1 = arith.constant 0 : i32
    %c0_i32_2 = arith.constant 0 : i32
    return %get3A_0, %c0_i32, %c0_i32_1 : i32, i32, i32
  }
  func.func @transform_3(%arg0: i32, %arg1: memref<96xi32, #tpu.memory_space<smem>>, %arg2: memref<96xi32, #tpu.memory_space<smem>>) -> (i32, i32, i32) {
    %get3A = arith.index_cast %arg0 : i32 to index
    %get3A_0 = memref.load %arg1[%get3A] : memref<96xi32, #tpu.memory_space<smem>>
    %c0_i32 = arith.constant 0 : i32
    %c0_i32_1 = arith.constant 0 : i32
    %c0_i32_2 = arith.constant 0 : i32
    return %get3A_0, %c0_i32, %c0_i32_1 : i32, i32, i32
  }
  func.func @transform_4(%arg0: i32, %arg1: memref<96xi32, #tpu.memory_space<smem>>, %arg2: memref<96xi32, #tpu.memory_space<smem>>) -> (i32, i32, i32) {
    %get3A = arith.index_cast %arg0 : i32 to index
    %get3A_0 = memref.load %arg1[%get3A] : memref<96xi32, #tpu.memory_space<smem>>
    %c0_i32 = arith.constant 0 : i32
    %c0_i32_1 = arith.constant 0 : i32
    %c0_i32_2 = arith.constant 0 : i32
    return %get3A_0, %c0_i32, %c0_i32_1 : i32, i32, i32
  }
  func.func @transform_5(%arg0: i32, %arg1: memref<96xi32, #tpu.memory_space<smem>>, %arg2: memref<96xi32, #tpu.memory_space<smem>>) -> (i32, i32) {
    %get3A = arith.index_cast %arg0 : i32 to index
    %get3A_0 = memref.load %arg2[%get3A] : memref<96xi32, #tpu.memory_space<smem>>
    %c0_i32 = arith.constant 0 : i32
    %c0_i32_1 = arith.constant 0 : i32
    return %get3A_0, %c0_i32 : i32, i32
  }
}

module attributes {stable_mosaic.version = 14 : i64} {
  func.func @_add_body(%arg0: i32, %arg1: memref<256x1024xf32, #tpu.memory_space<vmem>>, %arg2: memref<256x1024xf32, #tpu.memory_space<vmem>>, %arg3: memref<256x2xf32, #tpu.memory_space<vmem>>, %arg4: memref<256x1024xf32, #tpu.memory_space<vmem>>) attributes {dimension_semantics = [#tpu.dimension_semantics<arbitrary>], iteration_bounds = array<i64: 8>, scalar_prefetch = 0 : i64, scratch_operands = 0 : i64, tpu.core_type = #tpu.core_type<tc>, window_params = [{transform_indices = @transform_0, window_bounds = array<i64: 256, 1024>}, {transform_indices = @transform_1, window_bounds = array<i64: 256, 1024>}, {transform_indices = @transform_2, window_bounds = array<i64: 256, 2>}, {transform_indices = @transform_3, window_bounds = array<i64: 256, 1024>}]} {
    %get3A = arith.constant 0 : index
    %get3A_0 = arith.constant 0 : index
    %get3A_1 = vector.load %arg1[%get3A, %get3A_0] : memref<256x1024xf32, #tpu.memory_space<vmem>>, vector<256x1024xf32>
    %get3A_2 = arith.constant 0 : index
    %get3A_3 = arith.constant 0 : index
    %get3A_4 = vector.load %arg3[%get3A_2, %get3A_3] : memref<256x2xf32, #tpu.memory_space<vmem>>, vector<256x1xf32>
    %mul3A = vector.broadcast %get3A_4 : vector<256x1xf32> to vector<256x1024xf32>
    %mul3A_5 = arith.mulf %get3A_1, %mul3A : vector<256x1024xf32>
    %get3A_6 = arith.constant 0 : index
    %get3A_7 = arith.constant 0 : index
    %get3A_8 = vector.load %arg2[%get3A_6, %get3A_7] : memref<256x1024xf32, #tpu.memory_space<vmem>>, vector<256x1024xf32>
    %get3A_9 = arith.constant 0 : index
    %get3A_10 = arith.constant 1 : index
    %get3A_11 = vector.load %arg3[%get3A_9, %get3A_10] : memref<256x2xf32, #tpu.memory_space<vmem>>, vector<256x1xf32>
    %mul3A_12 = vector.broadcast %get3A_11 : vector<256x1xf32> to vector<256x1024xf32>
    %mul3A_13 = arith.mulf %get3A_8, %mul3A_12 : vector<256x1024xf32>
    %add3A = arith.addf %mul3A_5, %mul3A_13 : vector<256x1024xf32>
    %swap3A = arith.constant 0 : index
    %swap3A_14 = arith.constant 0 : index
    %swap3A_15 = vector.load %arg4[%swap3A, %swap3A_14] : memref<256x1024xf32, #tpu.memory_space<vmem>>, vector<256x1024xf32>
    tpu.vector_store %arg4[%swap3A, %swap3A_14], %add3A {strides = array<i32>} : memref<256x1024xf32, #tpu.memory_space<vmem>>, vector<256x1024xf32>,
    return
  }
  func.func @transform_0(%arg0: i32) -> (i32, i32) {
    %c0_i32 = arith.constant 0 : i32
    %c0_i32_0 = arith.constant 0 : i32
    return %arg0, %c0_i32 : i32, i32
  }
  func.func @transform_1(%arg0: i32) -> (i32, i32) {
    %c0_i32 = arith.constant 0 : i32
    %c0_i32_0 = arith.constant 0 : i32
    return %arg0, %c0_i32 : i32, i32
  }
  func.func @transform_2(%arg0: i32) -> (i32, i32) {
    %c0_i32 = arith.constant 0 : i32
    %c0_i32_0 = arith.constant 0 : i32
    return %arg0, %c0_i32 : i32, i32
  }
  func.func @transform_3(%arg0: i32) -> (i32, i32) {
    %c0_i32 = arith.constant 0 : i32
    %c0_i32_0 = arith.constant 0 : i32
    return %arg0, %c0_i32 : i32, i32
  }
}

</mosaic_0001>

<sc_bundles>
// kernel: kernel.10.cloned.1.call-start
scs
__scs_entry_jumppad:
0x0: {  	(pc) =	sbr.rel $0x88, $3  }
0x1: {  	(tag) =	ssettag $0x0;
	lr =	simm.s32 $0x1  }
0x2: {  	[smem:$0x3F9B] =	sst lr;
	_ =	strace $0xD0000000  }
0x3: {  	_ = 	snop  }
0x4: {  	_ = 	snop  }
0x5: {  	_ = 	snop  }
0x6: {  	_ = 	snop  }
0x7: {  	_ = 	snop  }
__scs_overlays_trampoline_lowered:
0x8: {  	[smem:$0x3FAA] =	sst s0  }
0x9: {  	[smem:$0x3FAB] =	sst s1  }
0xa: {  	[smem:$0x3FAC] =	sst s2  }
0xb: {  	[smem:$0x3FAD] =	sst s3  }
0xc: {  	[smem:$0x3FAE] =	sst s4  }
0xd: {  	[smem:$0x3FAF] =	sst s5  }
0xe: {  	[smem:$0x3FB0] =	sst s6  }
0xf: {  	[smem:$0x3FB1] =	sst s7  }
0x10: {  	[smem:$0x3FB2] =	sst s8  }
0x11: {  	[smem:$0x3FB3] =	sst s9;
	s0 =	simm.s32 @!p0 $0x0  }
0x12: {  	s1 =	sld [smem:$0x3F99];
	s0 =	simm.s32 @p0 $0x1  }
0x13: {  	[smem:$0x3FB4] =	sst s0;
	s0 =	simm.s32 @!p1 $0x0  }
0x14: {  	s2 =	sld [smem:$0x3F98];
	s0 =	simm.s32 @p1 $0x1  }
0x15: {  	[smem:$0x3FB5] =	sst s0;
	s0 =	simm.s32 @!p2 $0x0  }
0x16: {  	s3 =	sld [smem:$0x3FDB];
	s0 =	simm.s32 @p2 $0x1  }
0x17: {  	s4 =	simm.s32 $0x1BF5;
	[smem:$0x3FB7] =	sst s0  }
0x18: {  	s0 =	sld [smem:$0x3F9A];
	_ =	swait.ge [sflag:s4], $0x0  }
0x19: {  	s7 =	sld [smem:$0x3F9B]  }
0x1a: {  	s8 =	sadd.s32 $0xFFFFE003, lr  }
0x1b: {  	s9 =	sadd.s32 $0xFFFFFEF7, lr;
	s5 =	simm.s32 $0xFFFFFFFF;
	p2 =	slt.u32 s8, $0xFFFFF086  }
0x1c: {  	p1 =	slt.u32 s9, $0xF7A;
	s5 =	simm.s32 @!p2 $0x0  }
0x1d: {  	s5 =	simm.s32 @p1 $0x1;
	p0 =	seq.s32 s7, s2  }
0x1e: {  	s7 =	smul.u32 @!p0 $0xF7A, s2;
	p2 =	seq.s32 @!p0 s5, $0x0  }
0x1f: {  	s9 =	smul.u32 $0xF7A, s1;
	s8 =	simm.s32 @!p0 $0x1BF5;
	p2 =	por !p2, p0  }
0x20: {  	[sflag:s8] =	ssyncset.s32 @!p0 $0xFFFFF086;
	s6 =	sadd.s32 @!p0 s3, s7;
	s7 =	simm.s32 @!p0 $0x108  }
0x21: {  	s3 =	sadd.s32 s3, s9;
	s6 =	sadd.s32 @!p0 $0x88, s6;
	s7 =	simm.s32 @p2 $0x1082  }
0x22: {  	[simem:s7], [sflag:s8] =	dma.local @!p0 [hbm:s6], $0xF7A  }
0x23: {  	s9 =	sor.u32 $0xD0000000, s2;
	s6 =	simm.s32 $0x108;
	_ =	swait.ge @!p0 [sflag:s8], $0x0  }
0x24: {  	s3 =	sadd.s32 $0x88, s3;
	s6 =	simm.s32 @!p1 $0x1082;
	[sflag:s4] =	ssyncset.s32 $0xFFFFF086  }
0x25: {  	[simem:s6], [sflag:s4] =	dma.local [hbm:s3], $0xF7A  }
0x26: {  	[smem:$0x3F9B] =	sst s1;
	(tag) =	ssettag s2;
	_ =	strace s9  }
0x27: {  	s1 =	sld [smem:$0x3FAB]  }
0x28: {  	s2 =	sld [smem:$0x3FAC]  }
0x29: {  	s4 =	sld [smem:$0x3FAE]  }
0x2a: {  	p0 =	seq.s32 s5, $0x0;
	s5 =	sld [smem:$0x3FAF]  }
0x2b: {  	s6 =	sld [smem:$0x3FB0]  }
0x2c: {  	s7 =	sld [smem:$0x3FB1]  }
0x2d: {  	s3 =	simm.s32 $0x108;
	s8 =	sld [smem:$0x3FB2]  }
0x2e: {  	s3 =	simm.s32 @!p0 $0x1082;
	s9 =	sld [smem:$0x3FB3]  }
0x2f: {  	lr =	sadd.s32 s0, s3;
	s0 =	sld [smem:$0x3FAA]  }
0x30: {  	s3 =	sld [smem:$0x3FAD]  }
0x31: {  	[smem:$0x3FB6] =	sst s10  }
0x32: {  	s10 =	sld [smem:$0x3FB4];
	_ =	sdelay $0x3  }
0x33: {  	p0 =	seq.s32 s10, $0x1;
	s10 =	sld [smem:$0x3FB6];
	_ =	sdelay $0x3  }
0x34: {  	[smem:$0x3FB6] =	sst s10  }
0x35: {  	s10 =	sld [smem:$0x3FB5];
	_ =	sdelay $0x3  }
0x36: {  	p1 =	seq.s32 s10, $0x1;
	s10 =	sld [smem:$0x3FB6];
	_ =	sdelay $0x3  }
0x37: {  	[smem:$0x3FB6] =	sst s10  }
0x38: {  	s10 =	sld [smem:$0x3FB7]  }
0x39: {  	_ = 	snop;
	(pc) =	sbr.ind lr, $3  }
0x3a: {  	_ = 	snop  }
0x3b: {  	_ = 	snop  }
0x3c: {  	p2 =	seq.s32 s10, $0x1;
	s10 =	sld [smem:$0x3FB6]  }
0x3d: {  	_ =	shalt  }
0x3e: {  	_ =	shalt  }
0x3f: {  	_ =	shalt  }
0x40: {  	_ =	shalt  }
0x41: {  	_ =	shalt  }
0x42: {  	_ =	shalt  }
0x43: {  	_ =	shalt  }
0x44: {  	_ =	shalt  }
0x45: {  	_ =	shalt  }
0x46: {  	_ =	shalt  }
0x47: {  	_ =	shalt  }
0x48: {  	_ =	shalt  }
0x49: {  	_ =	shalt  }
0x4a: {  	_ =	shalt  }
0x4b: {  	_ =	shalt  }
0x4c: {  	_ =	shalt  }
0x4d: {  	_ =	shalt  }
0x4e: {  	_ =	shalt  }
0x4f: {  	_ =	shalt  }
0x50: {  	_ =	shalt  }
0x51: {  	_ =	shalt  }
0x52: {  	_ =	shalt  }
0x53: {  	_ =	shalt  }
0x54: {  	_ =	shalt  }
0x55: {  	_ =	shalt  }
0x56: {  	_ =	shalt  }
0x57: {  	_ =	shalt  }
0x58: {  	_ =	shalt  }
0x59: {  	_ =	shalt  }
0x5a: {  	_ =	shalt  }
0x5b: {  	_ =	shalt  }
0x5c: {  	_ =	shalt  }
0x5d: {  	_ =	shalt  }
0x5e: {  	_ =	shalt  }
0x5f: {  	_ =	shalt  }
0x60: {  	_ =	shalt  }
0x61: {  	_ =	shalt  }
0x62: {  	_ =	shalt  }
0x63: {  	_ =	shalt  }
0x64: {  	_ =	shalt  }
0x65: {  	_ =	shalt  }
0x66: {  	_ =	shalt  }
0x67: {  	_ =	shalt  }
0x68: {  	_ =	shalt  }
0x69: {  	_ =	shalt  }
0x6a: {  	_ =	shalt  }
0x6b: {  	_ =	shalt  }
0x6c: {  	_ =	shalt  }
0x6d: {  	_ =	shalt  }
0x6e: {  	_ =	shalt  }
0x6f: {  	_ =	shalt  }
0x70: {  	_ =	shalt  }
0x71: {  	_ =	shalt  }
0x72: {  	_ =	shalt  }
0x73: {  	_ =	shalt  }
0x74: {  	_ =	shalt  }
0x75: {  	_ =	shalt  }
0x76: {  	_ =	shalt  }
0x77: {  	_ =	shalt  }
0x78: {  	_ =	shalt  }
0x79: {  	_ =	shalt  }
0x7a: {  	_ =	shalt  }
0x7b: {  	_ =	shalt  }
0x7c: {  	_ =	shalt  }
0x7d: {  	_ =	shalt  }
0x7e: {  	_ =	shalt  }
0x7f: {  	_ =	shalt  }
0x80: {  	_ =	shalt  }
0x81: {  	_ =	shalt  }
0x82: {  	_ =	shalt  }
0x83: {  	_ =	shalt  }
0x84: {  	_ =	shalt  }
0x85: {  	_ =	shalt  }
0x86: {  	_ =	shalt  }
0x87: {  	_ =	shalt  }
.Lfunc_end0:
.L_simem_size_0:
called_computation.1_lowered:
.L_overlay_start_0:
0x88: {  	s2 =	sld [smem:$0x3FD9]  }
0x89: {  	s3 =	sld [smem:$0x3FFE];
	_ =	sdelay $0x1  }
0x8a: {  	s1 =	srdreg.scid  }
0x8b: {  	s0 =	sand.u32 $0x1, s1  }
0x8c: {  	s14 =	sshll.u32 s0, $0xA;
	s2 =	sadd.s32 s3, s2  }
0x8d: {  	s2 =	sadd.s32 s2, s14  }
0x8e: {  	[smem:$0x3FC2] =	sst s2  }
0x8f: {  	_ = 	snop  }
0x90: {  	s2 =	sld [smem:$0x3FD0];
	_ =	sdelay $0x2  }
0x91: {  	s15 =	simm.s32 $0xA;
	s4 =	simm.s32 $0x10  }
0x92: {  	[smem:s4], [sflag:s15] =	dma.local [hbm:s2], $0x1  }
0x93: {  	_ =	swait.eq [sflag:s15], $0x1  }
0x94: {  	[sflag:s15] =	ssyncset.done $0x0  }
0x95: {  	[sflag:s15] =	ssyncadd.s32 $0xFFFFFFFF  }
0x96: {  	s16 =	sld [smem:$0x10];
	(tm) =	ssettm $0x1  }
0x97: {  	s17 =	sld [smem:$0x3FFB];
	_ =	sdelay $0x3  }
0x98: {  	_ =	strace s17  }
0x99: {  	s3 =	sld [smem:$0x3FFC];
	_ =	sdelay $0x3  }
0x9a: {  	_ =	strace s3  }
0x9b: {  	s3 =	sld [smem:$0x3FFD];
	_ =	sdelay $0x3  }
0x9c: {  	_ =	strace s3  }
0x9d: {  	_ =	strace $0x8FFFFFFF  }
0x9e: {  	s18 =	sld [smem:$0x3FDB];
	_ =	sdelay $0x1  }
0x9f: {  	s19 =	simm.s32 $_scs_section_size  }
0xa0: {  	s5 =	simm.s32 $_size__tile_overlayer_lowered;
	s6 =	simm.s32 $_tile_overlayer_lowered  }
0xa1: {  	s22 =	simm.s32 $0x1BFF;
	s21 =	sshll.u32 s6, $0x1;
	s3 =	sadd.s32 s19, s18  }
0xa2: {  	s7 =	simm.s32 $0x0;
	s20 =	sshll.u32 s5, $0x1;
	s5 =	sadd.s32 s21, s3  }
0xa3: {  	[timem:s7], [sflag:s22] =	dma.local [hbm:s5], s20  }
0xa4: {  	_ =	swait.ge [sflag:s22], s20  }
0xa5: {  	s4 =	ssub.s32 $0x0, s20;
	[sflag:s22] =	ssyncset.done $0x0  }
0xa6: {  	[sflag:s22] =	ssyncadd.s32 s4;
	_ =	sdelay $0x1  }
0xa7: {  	s23 =	simm.s32 $0x1B8B  }
0xa8: {  	_ =	swait.ge [sflag:s23], $0x1  }
0xa9: {  	[sflag:s23] =	ssyncset.done $0x0  }
0xaa: {  	s25 =	simm.s32 $0x1B8E;
	s24 =	sld [smem:$0x3FFE];
	[sflag:s23] =	ssyncadd.s32 $0xFFFFFFFF  }
0xab: {  	s26 =	simm.s32 $execute0_lowered;
	[smem:$0x3FD2] =	sst s25  }
0xac: {  	s5 =	sshll.u32 s26, $0x1;
	_ =	strace $0x80000049;
	[dreg:$0x1] =	wrdreg $0xFFFFFFFF  }
0xad: {  	s28 =	simm.s32 $_size_execute0_lowered;
	s3 =	sadd.s32 s3, s5;
	[dreg:$0x0] =	wrdreg $0x0  }
0xae: {  	s5 =	sshll.u32 s28, $0x1;
	[dreg:$0x2] =	wrdreg s3  }
0xaf: {  	[dreg:$0x3] =	wrdreg s5  }
0xb0: {  	[dreg:$0x4] =	wrdreg $0xC0  }
0xb1: {  	_ =	task [dreg:s7], $0x5FFFF  }
0xb2: {  	[dreg:$0x1] =	wrdreg $0xFFFFFFFF  }
0xb3: {  	[dreg:$0x0] =	wrdreg $0x60  }
0xb4: {  	[dreg:$0x2] =	wrdreg s24  }
0xb5: {  	[dreg:$0x3] =	wrdreg s16  }
0xb6: {  	[dreg:$0x4] =	wrdreg $0x9  }
0xb7: {  	_ =	task.clear_ibuf [dreg:s7], $0x5FFFF;
	_ =	strace $0x90000049  }
0xb8: {  	s29 =	simm.s32 $0x9;
	_ =	strace $0x8000004B  }
0xb9: {  	_ =	swait.ge [sflag:s29], $0x1  }
0xba: {  	[sflag:s29] =	ssyncadd.s32 $0xFFFFFFFF  }
0xbb: {  	_ =	strace $0x9000004B  }
0xbc: {  	_ =	sfence  }
0xbd: {  	s30 =	sld [smem:$0x0];
	_ =	sdelay $0x2  }
0xbe: {  	s31 =	sshll.u32 s1, $0xD;
	s1 =	sshrl.u32 s1, $0x2  }
0xbf: {  	s3 =	sand.u32 $0x4000, s31;
	s1 =	sadd.s32 s1, s30  }
0xc0: {  	s0 =	sor.u32 s3, s0;
	s1 =	sshll.u32 s1, $0x11  }
0xc1: {  	s0 =	sor.u32 s1, s0  }
0xc2: {  	s0 =	sadd.s32 $0x8F2B, s0  }
0xc3: {  	[sflag:s0] =	ssyncadd.remote.s32 $0x1  }
0xc4: {  	_ =	sfence.sel $0xFFFF  }
0xc5: {  	[dreg:$0x0] =	wrdreg $0xFFFFFFFF;
	(pc) =	sbr.abs _section_cstart, $3  }
0xc6: {  	[dreg:$0x1] =	wrdreg $0xFFFFFFFF  }
0xc7: {  	_ =	task.clear_ibuf [dreg:s7], $0x2FFFF;
	_ =	strace $0x9FFFFFFF  }
0xc8: {  	(tm) =	ssettm $0x7FFFFFFF  }
0xc9: {  	_ =	shalt  }
tec
execute0_lowered:
.L_overlay_start_1:
0x0: {  	(tag) =	ssettag $0x1  }
0x1: {  	s0 =	rddreg [dreg:$0x0]  }
0x2: {  	s1 =	rddreg [dreg:$0x1]  }
0x3: {  	s2 =	srdreg.scid;
	s3 =	stileid.u32  }
0x4: {  	s26 =	simm.s32 $0x80;
	s18 =	simm.s32 $0x1;
	s21 =	simm.s32 $0x1100  }
0x5: {  	s22 =	simm.s32 $0x1900;
	s23 =	simm.s32 $0x2100;
	s28 =	simm.s32 $0x4100  }
0x6: {  	s29 =	simm.s32 $0x4900;
	s30 =	simm.s32 $0x5100;
	s31 =	simm.s32 $0x5900  }
0x7: {  	s10 =	simm.s32 $0x7100;
	s11 =	simm.s32 $0x7900;
	s12 =	simm.s32 $0x8100  }
0x8: {  	s13 =	simm.s32 $0x8900;
	s14 =	simm.s32 $0x9100;
	s15 =	simm.s32 $0x9900  }
0x9: {  	s16 =	simm.s32 $0xA100;
	s17 =	simm.s32 $0xA900;
	s4 =	sand.u32 $0x1, s2  }
0xa: {  	s2 =	simm.s32 $0x0;
	s3 =	sshll.u32 s3, $0x7;
	s5 =	sshll.u32 s4, $0x6  }
0xb: {  	[smem:$0x7FF] =	sst s2;
	s4 =	ssub.s32 $0x2, s4;
	s5 =	sor.u32 s5, s3  }
0xc: {  	_ =	strace $0x8000004A;
	s3 =	sadd.s32 $0x188C00, s0;
	s8 =	sshrl.u32 s4, $0x1  }
0xd: {  	[dreg:$0x7] =	wrdreg s26;
	s26 =	simm.s32 $0x3900;
	s6 =	sshrl.u32 s5, $0x3  }
0xe: {  	s5 =	sshll.u32 s5, $0x7;
	s8 =	ssub.s32 s4, s8;
	s4 =	sadd.s32 $0x188D00, s0  }
0xf: {  	s6 =	sadd.s32 s6, s0;
	s7 =	sadd.s32 s5, s0;
	s1 =	sadd.s32 s1, s5  }
0x10: {  	s5 =	sadd.s32 $0x188E00, s0;
	s9 =	sadd.s32 $0x8A00, s6;
	[dreg:$0x5] =	wrdreg s1  }
0x11: {  	s24 =	sadd.s32 $0x8800, s6;
	s25 =	sadd.s32 $0x8C00, s7;
	[dreg:$0x3] =	wrdreg s9  }
0x12: {  	v2 =	vlaneseq.u32;
	s6 =	sadd.s32 $0x188F00, s0;
	s7 =	smax.u32 s8, $0x1;
	[dreg:$0x4] =	wrdreg s24  }
0x13: {  	vm0 =	vmmov $0xffff;
	v1 =	vshrl.u32 v2, $0x3;
	s8 =	simm.s32 $0x2;
	s0 =	simm.s32 $0x100;
	[dreg:$0x6] =	wrdreg s25  }
0x14: {  	v0 =	vand.u32 $0x7, v2;
	v2 =	vor.u32 $0x8, v2;
	v1 =	vmul.u32 $0x8, v1;
	s24 =	simm.s32 $0x2900;
	s25 =	simm.s32 $0x3100;
	s9 =	simm.s32 $0xB100  }
.LBB2_1:
0x15: {  	s19 =	rddreg [dreg:$0x3]  }
0x16: {  	[tilespmem:s2], [sflag:$0x2] =	stream.linear.gather [hbm4b:s19+s2], $0x40, $0x38;
	[tilespmem:$0x10100] =	vst v63  }
0x17: {  	_ =	swait.ge [sflag:s8], $0x40  }
0x18: {  	s1 =	rddreg [dreg:$0x4];
	[sflag:s8] =	ssyncset.done $0x0  }
0x19: {  	s20 =	rddreg [dreg:$0x7];
	[sflag:s8] =	ssyncadd.s32 $0xFFFFFFC0  }
0x1a: {  	[tilespmem:s20], [sflag:$0x2] =	stream.linear.gather [hbm4b:s1+s2], $0x40, $0x38;
	[tilespmem:$0x10100] =	vst v63  }
0x1b: {  	_ =	swait.ge [sflag:s8], $0x40  }
0x1c: {  	[sflag:s8] =	ssyncset.done $0x0  }
0x1d: {  	[sflag:s8] =	ssyncadd.s32 $0xFFFFFFC0  }
0x1e: {  	v3 =	vld [tilespmem:$0x0];
	_ =	sdelay $0x4  }
0x1f: {  	v4 =	vshll.u32 v3, $0x3  }
0x20: {  	v3 =	vand.u32 $0x7, v3;
	v4 =	vand.u32 $0xFFFFFFC0, v4  }
0x21: {  	v3 =	vor.u32 v3, v4  }
0x22: {  	v4 =	vperm.xlane v3, v0;
	_ =	sdelay $0x1  }
0x23: {  	v4 =	vadd.s32 v1, v4;
	_ =	sdelay $0x4  }
0x24: {  	[tilespmem:s0], [sflag:$0x1] =	stream.indirect_vreg.gather [hbm4b:s3+s2], $0x80, v4, vm0, $0xb8;
	[tilespmem:$0x10100] =	vst v63  }
0x25: {  	s20 =	simm.s32 $0x900;
	v3 =	vperm.xlane v3, v2  }
0x26: {  	[tilespmem:s20], [sflag:$0x1] =	stream.indirect_vreg.gather [hbm4b:s4+s2], $0x80, v4, vm0, $0xb8;
	[tilespmem:$0x10100] =	vst v63  }
0x27: {  	v3 =	vadd.s32 v1, v3  }
0x28: {  	[tilespmem:s21], [sflag:$0x1] =	stream.indirect_vreg.gather [hbm4b:s5+s2], $0x80, v4, vm0, $0xb8;
	[tilespmem:$0x10100] =	vst v63  }
0x29: {  	_ = 	snop  }
0x2a: {  	[tilespmem:s22], [sflag:$0x1] =	stream.indirect_vreg.gather [hbm4b:s6+s2], $0x80, v4, vm0, $0xb8;
	[tilespmem:$0x10100] =	vst v63  }
0x2b: {  	_ = 	snop  }
0x2c: {  	[tilespmem:s23], [sflag:$0x1] =	stream.indirect_vreg.gather [hbm4b:s3+s2], $0x80, v3, vm0, $0xb8;
	[tilespmem:$0x10100] =	vst v63  }
0x2d: {  	_ = 	snop  }
0x2e: {  	[tilespmem:s24], [sflag:$0x1] =	stream.indirect_vreg.gather [hbm4b:s4+s2], $0x80, v3, vm0, $0xb8;
	[tilespmem:$0x10100] =	vst v63  }
0x2f: {  	_ = 	snop  }
0x30: {  	[tilespmem:s25], [sflag:$0x1] =	stream.indirect_vreg.gather [hbm4b:s5+s2], $0x80, v3, vm0, $0xb8;
	[tilespmem:$0x10100] =	vst v63  }
0x31: {  	_ = 	snop  }
0x32: {  	[tilespmem:s26], [sflag:$0x1] =	stream.indirect_vreg.gather [hbm4b:s6+s2], $0x80, v3, vm0, $0xb8;
	[tilespmem:$0x10100] =	vst v63  }
0x33: {  	v3 =	vld [tilespmem:$0x10];
	_ =	sdelay $0x4  }
0x34: {  	v57 =	vshll.u32 v3, $0x3  }
0x35: {  	v3 =	vand.u32 $0x7, v3;
	v4 =	vand.u32 $0xFFFFFFC0, v57  }
0x36: {  	v3 =	vor.u32 v3, v4  }
0x37: {  	v4 =	vperm.xlane v3, v0;
	_ =	sdelay $0x1  }
0x38: {  	v4 =	vadd.s32 v1, v4;
	_ =	sdelay $0x4  }
0x39: {  	[tilespmem:s28], [sflag:$0x1] =	stream.indirect_vreg.gather [hbm4b:s3+s2], $0x80, v4, vm0, $0xb8;
	[tilespmem:$0x10100] =	vst v63  }
0x3a: {  	v3 =	vperm.xlane v3, v2  }
0x3b: {  	[tilespmem:s29], [sflag:$0x1] =	stream.indirect_vreg.gather [hbm4b:s4+s2], $0x80, v4, vm0, $0xb8;
	[tilespmem:$0x10100] =	vst v63  }
0x3c: {  	v3 =	vadd.s32 v1, v3  }
0x3d: {  	[tilespmem:s30], [sflag:$0x1] =	stream.indirect_vreg.gather [hbm4b:s5+s2], $0x80, v4, vm0, $0xb8;
	[tilespmem:$0x10100] =	vst v63  }
0x3e: {  	_ = 	snop  }
0x3f: {  	[tilespmem:s31], [sflag:$0x1] =	stream.indirect_vreg.gather [hbm4b:s6+s2], $0x80, v4, vm0, $0xb8;
	[tilespmem:$0x10100] =	vst v63  }
0x40: {  	s1 =	simm.s32 $0x6100  }
0x41: {  	[tilespmem:s1], [sflag:$0x1] =	stream.indirect_vreg.gather [hbm4b:s3+s2], $0x80, v3, vm0, $0xb8;
	[tilespmem:$0x10100] =	vst v63  }
0x42: {  	s1 =	simm.s32 $0x6900  }
0x43: {  	[tilespmem:s1], [sflag:$0x1] =	stream.indirect_vreg.gather [hbm4b:s4+s2], $0x80, v3, vm0, $0xb8;
	[tilespmem:$0x10100] =	vst v63  }
0x44: {  	_ = 	snop  }
0x45: {  	[tilespmem:s10], [sflag:$0x1] =	stream.indirect_vreg.gather [hbm4b:s5+s2], $0x80, v3, vm0, $0xb8;
	[tilespmem:$0x10100] =	vst v63  }
0x46: {  	_ = 	snop  }
0x47: {  	[tilespmem:s11], [sflag:$0x1] =	stream.indirect_vreg.gather [hbm4b:s6+s2], $0x80, v3, vm0, $0xb8;
	[tilespmem:$0x10100] =	vst v63  }
0x48: {  	v3 =	vld [tilespmem:$0x20];
	_ =	sdelay $0x4  }
0x49: {  	v58 =	vshll.u32 v3, $0x3  }
0x4a: {  	v3 =	vand.u32 $0x7, v3;
	v4 =	vand.u32 $0xFFFFFFC0, v58  }
0x4b: {  	v3 =	vor.u32 v3, v4  }
0x4c: {  	v4 =	vperm.xlane v3, v0;
	_ =	sdelay $0x1  }
0x4d: {  	v4 =	vadd.s32 v1, v4;
	_ =	sdelay $0x4  }
0x4e: {  	[tilespmem:s12], [sflag:$0x1] =	stream.indirect_vreg.gather [hbm4b:s3+s2], $0x80, v4, vm0, $0xb8;
	[tilespmem:$0x10100] =	vst v63  }
0x4f: {  	v3 =	vperm.xlane v3, v2  }
0x50: {  	[tilespmem:s13], [sflag:$0x1] =	stream.indirect_vreg.gather [hbm4b:s4+s2], $0x80, v4, vm0, $0xb8;
	[tilespmem:$0x10100] =	vst v63  }
0x51: {  	v3 =	vadd.s32 v1, v3  }
0x52: {  	[tilespmem:s14], [sflag:$0x1] =	stream.indirect_vreg.gather [hbm4b:s5+s2], $0x80, v4, vm0, $0xb8;
	[tilespmem:$0x10100] =	vst v63  }
0x53: {  	_ = 	snop  }
0x54: {  	[tilespmem:s15], [sflag:$0x1] =	stream.indirect_vreg.gather [hbm4b:s6+s2], $0x80, v4, vm0, $0xb8;
	[tilespmem:$0x10100] =	vst v63  }
0x55: {  	_ = 	snop  }
0x56: {  	[tilespmem:s16], [sflag:$0x1] =	stream.indirect_vreg.gather [hbm4b:s3+s2], $0x80, v3, vm0, $0xb8;
	[tilespmem:$0x10100] =	vst v63  }
0x57: {  	_ = 	snop  }
0x58: {  	[tilespmem:s17], [sflag:$0x1] =	stream.indirect_vreg.gather [hbm4b:s4+s2], $0x80, v3, vm0, $0xb8;
	[tilespmem:$0x10100] =	vst v63  }
0x59: {  	_ = 	snop  }
0x5a: {  	[tilespmem:s9], [sflag:$0x1] =	stream.indirect_vreg.gather [hbm4b:s5+s2], $0x80, v3, vm0, $0xb8;
	[tilespmem:$0x10100] =	vst v63  }
0x5b: {  	s19 =	simm.s32 $0xB900  }
0x5c: {  	[tilespmem:s19], [sflag:$0x1] =	stream.indirect_vreg.gather [hbm4b:s6+s2], $0x80, v3, vm0, $0xb8;
	[tilespmem:$0x10100] =	vst v63  }
0x5d: {  	v3 =	vld [tilespmem:$0x30];
	_ =	sdelay $0x4  }
0x5e: {  	v59 =	vshll.u32 v3, $0x3  }
0x5f: {  	v3 =	vand.u32 $0x7, v3;
	v4 =	vand.u32 $0xFFFFFFC0, v59  }
0x60: {  	v3 =	vor.u32 v3, v4  }
0x61: {  	v4 =	vperm.xlane v3, v0;
	_ =	sdelay $0x1  }
0x62: {  	v4 =	vadd.s32 v1, v4;
	_ =	sdelay $0x3  }
0x63: {  	s19 =	simm.s32 $0xC100  }
0x64: {  	[tilespmem:s19], [sflag:$0x1] =	stream.indirect_vreg.gather [hbm4b:s3+s2], $0x80, v4, vm0, $0xb8;
	[tilespmem:$0x10100] =	vst v63  }
0x65: {  	v3 =	vperm.xlane v3, v2;
	s19 =	simm.s32 $0xC900  }
0x66: {  	[tilespmem:s19], [sflag:$0x1] =	stream.indirect_vreg.gather [hbm4b:s4+s2], $0x80, v4, vm0, $0xb8;
	[tilespmem:$0x10100] =	vst v63  }
0x67: {  	v3 =	vadd.s32 v1, v3;
	s19 =	simm.s32 $0xD100  }
0x68: {  	[tilespmem:s19], [sflag:$0x1] =	stream.indirect_vreg.gather [hbm4b:s5+s2], $0x80, v4, vm0, $0xb8;
	[tilespmem:$0x10100] =	vst v63  }
0x69: {  	s19 =	simm.s32 $0xD900  }
0x6a: {  	[tilespmem:s19], [sflag:$0x1] =	stream.indirect_vreg.gather [hbm4b:s6+s2], $0x80, v4, vm0, $0xb8;
	[tilespmem:$0x10100] =	vst v63  }
0x6b: {  	s19 =	simm.s32 $0xE100  }
0x6c: {  	[tilespmem:s19], [sflag:$0x1] =	stream.indirect_vreg.gather [hbm4b:s3+s2], $0x80, v3, vm0, $0xb8;
	[tilespmem:$0x10100] =	vst v63  }
0x6d: {  	s19 =	simm.s32 $0xE900  }
0x6e: {  	[tilespmem:s19], [sflag:$0x1] =	stream.indirect_vreg.gather [hbm4b:s4+s2], $0x80, v3, vm0, $0xb8;
	[tilespmem:$0x10100] =	vst v63  }
0x6f: {  	s19 =	simm.s32 $0xF100  }
0x70: {  	[tilespmem:s19], [sflag:$0x1] =	stream.indirect_vreg.gather [hbm4b:s5+s2], $0x80, v3, vm0, $0xb8;
	[tilespmem:$0x10100] =	vst v63  }
0x71: {  	s19 =	simm.s32 $0xF900  }
0x72: {  	[tilespmem:s19], [sflag:$0x1] =	stream.indirect_vreg.gather [hbm4b:s6+s2], $0x80, v3, vm0, $0xb8;
	[tilespmem:$0x10100] =	vst v63  }
0x73: {  	_ =	swait.ge [sflag:s18], $0x10000  }
0x74: {  	[sflag:s18] =	ssyncset.done $0x0  }
0x75: {  	s19 =	rddreg [dreg:$0x5];
	[sflag:s18] =	ssyncadd.s32 $0xFFFF0000  }
0x76: {  	[hbm4b:s19+s2] =	stream.linear.scatter [tilespmem:s0], [sflag:$0x2], $0x10000, $0x38;
	[tilespmem:$0x10100] =	vst v63  }
0x77: {  	_ =	swait.ge [sflag:s8], $0x10000  }
0x78: {  	[sflag:s8] =	ssyncset.done $0x0  }
0x79: {  	[sflag:s8] =	ssyncadd.s32 $0xFFFF0000  }
0x7a: {  	v3 =	vld [tilespmem:$0x80];
	_ =	sdelay $0x4  }
0x7b: {  	v60 =	vshll.u32 v3, $0x3  }
0x7c: {  	v3 =	vand.u32 $0x7, v3;
	v4 =	vand.u32 $0xFFFFFFC0, v60  }
0x7d: {  	v3 =	vor.u32 v3, v4  }
0x7e: {  	v4 =	vperm.xlane v3, v0;
	_ =	sdelay $0x1  }
0x7f: {  	v4 =	vadd.s32 v1, v4;
	_ =	sdelay $0x4  }
0x80: {  	[tilespmem:s0], [sflag:$0x1] =	stream.indirect_vreg.gather [hbm4b:s3+s2], $0x80, v4, vm0, $0xb8;
	[tilespmem:$0x10100] =	vst v63  }
0x81: {  	v3 =	vperm.xlane v3, v2  }
0x82: {  	[tilespmem:s20], [sflag:$0x1] =	stream.indirect_vreg.gather [hbm4b:s4+s2], $0x80, v4, vm0, $0xb8;
	[tilespmem:$0x10100] =	vst v63  }
0x83: {  	v3 =	vadd.s32 v1, v3  }
0x84: {  	[tilespmem:s21], [sflag:$0x1] =	stream.indirect_vreg.gather [hbm4b:s5+s2], $0x80, v4, vm0, $0xb8;
	[tilespmem:$0x10100] =	vst v63  }
0x85: {  	_ = 	snop  }
0x86: {  	[tilespmem:s22], [sflag:$0x1] =	stream.indirect_vreg.gather [hbm4b:s6+s2], $0x80, v4, vm0, $0xb8;
	[tilespmem:$0x10100] =	vst v63  }
0x87: {  	_ = 	snop  }
0x88: {  	[tilespmem:s23], [sflag:$0x1] =	stream.indirect_vreg.gather [hbm4b:s3+s2], $0x80, v3, vm0, $0xb8;
	[tilespmem:$0x10100] =	vst v63  }
0x89: {  	_ = 	snop  }
0x8a: {  	[tilespmem:s24], [sflag:$0x1] =	stream.indirect_vreg.gather [hbm4b:s4+s2], $0x80, v3, vm0, $0xb8;
	[tilespmem:$0x10100] =	vst v63  }
0x8b: {  	_ = 	snop  }
0x8c: {  	[tilespmem:s25], [sflag:$0x1] =	stream.indirect_vreg.gather [hbm4b:s5+s2], $0x80, v3, vm0, $0xb8;
	[tilespmem:$0x10100] =	vst v63  }
0x8d: {  	_ = 	snop  }
0x8e: {  	[tilespmem:s26], [sflag:$0x1] =	stream.indirect_vreg.gather [hbm4b:s6+s2], $0x80, v3, vm0, $0xb8;
	[tilespmem:$0x10100] =	vst v63  }
0x8f: {  	v3 =	vld [tilespmem:$0x90];
	_ =	sdelay $0x4  }
0x90: {  	v61 =	vshll.u32 v3, $0x3  }
0x91: {  	v3 =	vand.u32 $0x7, v3;
	v4 =	vand.u32 $0xFFFFFFC0, v61  }
0x92: {  	v3 =	vor.u32 v3, v4  }
0x93: {  	v4 =	vperm.xlane v3, v0;
	_ =	sdelay $0x1  }
0x94: {  	v4 =	vadd.s32 v1, v4;
	_ =	sdelay $0x4  }
0x95: {  	[tilespmem:s28], [sflag:$0x1] =	stream.indirect_vreg.gather [hbm4b:s3+s2], $0x80, v4, vm0, $0xb8;
	[tilespmem:$0x10100] =	vst v63  }
0x96: {  	v3 =	vperm.xlane v3, v2  }
0x97: {  	[tilespmem:s29], [sflag:$0x1] =	stream.indirect_vreg.gather [hbm4b:s4+s2], $0x80, v4, vm0, $0xb8;
	[tilespmem:$0x10100] =	vst v63  }
0x98: {  	v3 =	vadd.s32 v1, v3  }
0x99: {  	[tilespmem:s30], [sflag:$0x1] =	stream.indirect_vreg.gather [hbm4b:s5+s2], $0x80, v4, vm0, $0xb8;
	[tilespmem:$0x10100] =	vst v63  }
0x9a: {  	_ = 	snop  }
0x9b: {  	[tilespmem:s31], [sflag:$0x1] =	stream.indirect_vreg.gather [hbm4b:s6+s2], $0x80, v4, vm0, $0xb8;
	[tilespmem:$0x10100] =	vst v63  }
0x9c: {  	s20 =	simm.s32 $0x6100  }
0x9d: {  	[tilespmem:s20], [sflag:$0x1] =	stream.indirect_vreg.gather [hbm4b:s3+s2], $0x80, v3, vm0, $0xb8;
	[tilespmem:$0x10100] =	vst v63  }
0x9e: {  	_ = 	snop  }
0x9f: {  	[tilespmem:s1], [sflag:$0x1] =	stream.indirect_vreg.gather [hbm4b:s4+s2], $0x80, v3, vm0, $0xb8;
	[tilespmem:$0x10100] =	vst v63  }
0xa0: {  	_ = 	snop  }
0xa1: {  	[tilespmem:s10], [sflag:$0x1] =	stream.indirect_vreg.gather [hbm4b:s5+s2], $0x80, v3, vm0, $0xb8;
	[tilespmem:$0x10100] =	vst v63  }
0xa2: {  	_ = 	snop  }
0xa3: {  	[tilespmem:s11], [sflag:$0x1] =	stream.indirect_vreg.gather [hbm4b:s6+s2], $0x80, v3, vm0, $0xb8;
	[tilespmem:$0x10100] =	vst v63  }
0xa4: {  	v3 =	vld [tilespmem:$0xA0];
	_ =	sdelay $0x4  }
0xa5: {  	v62 =	vshll.u32 v3, $0x3  }
0xa6: {  	v3 =	vand.u32 $0x7, v3;
	v4 =	vand.u32 $0xFFFFFFC0, v62  }
0xa7: {  	v3 =	vor.u32 v3, v4  }
0xa8: {  	v4 =	vperm.xlane v3, v0;
	_ =	sdelay $0x1  }
0xa9: {  	v4 =	vadd.s32 v1, v4;
	_ =	sdelay $0x4  }
0xaa: {  	[tilespmem:s12], [sflag:$0x1] =	stream.indirect_vreg.gather [hbm4b:s3+s2], $0x80, v4, vm0, $0xb8;
	[tilespmem:$0x10100] =	vst v63  }
0xab: {  	v3 =	vperm.xlane v3, v2  }
0xac: {  	[tilespmem:s13], [sflag:$0x1] =	stream.indirect_vreg.gather [hbm4b:s4+s2], $0x80, v4, vm0, $0xb8;
	[tilespmem:$0x10100] =	vst v63  }
0xad: {  	v3 =	vadd.s32 v1, v3  }
0xae: {  	[tilespmem:s14], [sflag:$0x1] =	stream.indirect_vreg.gather [hbm4b:s5+s2], $0x80, v4, vm0, $0xb8;
	[tilespmem:$0x10100] =	vst v63  }
0xaf: {  	_ = 	snop  }
0xb0: {  	[tilespmem:s15], [sflag:$0x1] =	stream.indirect_vreg.gather [hbm4b:s6+s2], $0x80, v4, vm0, $0xb8;
	[tilespmem:$0x10100] =	vst v63  }
0xb1: {  	_ = 	snop  }
0xb2: {  	[tilespmem:s16], [sflag:$0x1] =	stream.indirect_vreg.gather [hbm4b:s3+s2], $0x80, v3, vm0, $0xb8;
	[tilespmem:$0x10100] =	vst v63  }
0xb3: {  	_ = 	snop  }
0xb4: {  	[tilespmem:s17], [sflag:$0x1] =	stream.indirect_vreg.gather [hbm4b:s4+s2], $0x80, v3, vm0, $0xb8;
	[tilespmem:$0x10100] =	vst v63  }
0xb5: {  	_ = 	snop  }
0xb6: {  	[tilespmem:s9], [sflag:$0x1] =	stream.indirect_vreg.gather [hbm4b:s5+s2], $0x80, v3, vm0, $0xb8;
	[tilespmem:$0x10100] =	vst v63  }
0xb7: {  	s19 =	simm.s32 $0xB900  }
0xb8: {  	[tilespmem:s19], [sflag:$0x1] =	stream.indirect_vreg.gather [hbm4b:s6+s2], $0x80, v3, vm0, $0xb8;
	[tilespmem:$0x10100] =	vst v63  }
0xb9: {  	v3 =	vld [tilespmem:$0xB0];
	_ =	sdelay $0x4  }
0xba: {  	v63 =	vshll.u32 v3, $0x3  }
0xbb: {  	v3 =	vand.u32 $0x7, v3;
	v4 =	vand.u32 $0xFFFFFFC0, v63  }
0xbc: {  	v3 =	vor.u32 v3, v4  }
0xbd: {  	v4 =	vperm.xlane v3, v0;
	_ =	sdelay $0x1  }
0xbe: {  	v4 =	vadd.s32 v1, v4;
	_ =	sdelay $0x3  }
0xbf: {  	s20 =	simm.s32 $0xC100  }
0xc0: {  	[tilespmem:s20], [sflag:$0x1] =	stream.indirect_vreg.gather [hbm4b:s3+s2], $0x80, v4, vm0, $0xb8;
	[tilespmem:$0x10100] =	vst v63  }
0xc1: {  	s19 =	simm.s32 $0xC900;
	v3 =	vperm.xlane v3, v2  }
0xc2: {  	[tilespmem:s19], [sflag:$0x1] =	stream.indirect_vreg.gather [hbm4b:s4+s2], $0x80, v4, vm0, $0xb8;
	[tilespmem:$0x10100] =	vst v63  }
0xc3: {  	v3 =	vadd.s32 v1, v3;
	s20 =	simm.s32 $0xD100  }
0xc4: {  	[tilespmem:s20], [sflag:$0x1] =	stream.indirect_vreg.gather [hbm4b:s5+s2], $0x80, v4, vm0, $0xb8;
	[tilespmem:$0x10100] =	vst v63  }
0xc5: {  	s19 =	simm.s32 $0xD900  }
0xc6: {  	[tilespmem:s19], [sflag:$0x1] =	stream.indirect_vreg.gather [hbm4b:s6+s2], $0x80, v4, vm0, $0xb8;
	[tilespmem:$0x10100] =	vst v63  }
0xc7: {  	s20 =	simm.s32 $0xE100  }
0xc8: {  	[tilespmem:s20], [sflag:$0x1] =	stream.indirect_vreg.gather [hbm4b:s3+s2], $0x80, v3, vm0, $0xb8;
	[tilespmem:$0x10100] =	vst v63  }
0xc9: {  	s19 =	simm.s32 $0xE900  }
0xca: {  	[tilespmem:s19], [sflag:$0x1] =	stream.indirect_vreg.gather [hbm4b:s4+s2], $0x80, v3, vm0, $0xb8;
	[tilespmem:$0x10100] =	vst v63  }
0xcb: {  	s20 =	simm.s32 $0xF100  }
0xcc: {  	[tilespmem:s20], [sflag:$0x1] =	stream.indirect_vreg.gather [hbm4b:s5+s2], $0x80, v3, vm0, $0xb8;
	[tilespmem:$0x10100] =	vst v63  }
0xcd: {  	s19 =	simm.s32 $0xF900  }
0xce: {  	[tilespmem:s19], [sflag:$0x1] =	stream.indirect_vreg.gather [hbm4b:s6+s2], $0x80, v3, vm0, $0xb8;
	[tilespmem:$0x10100] =	vst v63  }
0xcf: {  	_ =	swait.ge [sflag:s18], $0x10000  }
0xd0: {  	p0 =	sne.s32 s7, $0x1;
	[sflag:s18] =	ssyncset.done $0x0  }
.Ltmp0:
0xd1: {  	s20 =	rddreg [dreg:$0x6];
	[sflag:s18] =	ssyncadd.s32 $0xFFFF0000;
	(pc) =	sbr.rel @p0 .LBB2_1-.Ltmp0, $4  }
0xd2: {  	[hbm4b:s20+s2] =	stream.linear.scatter [tilespmem:s0], [sflag:$0x2], $0x10000, $0x38;
	[tilespmem:$0x10100] =	vst v63  }
0xd3: {  	_ =	swait.ge [sflag:s8], $0x10000  }
0xd4: {  	[sflag:s8] =	ssyncset.done $0x0  }
0xd5: {  	s7 =	sadd.s32 $0xFFFFFFFF, s7;
	[sflag:s8] =	ssyncadd.s32 $0xFFFF0000  }
0xd6: {  	_ =	sfence.sel $0x180000  }
0xd7: {  	[bflag:$0x0] =	sbarrier.arrive $0xFFFF  }
0xd8: {  	_ =	strace $0x9000004A  }
0xd9: {  	s0 =	stileid.u32;
	[bflag:$0x2] =	sbarrier.arrive $0xFFFF  }
0xda: {  	p0 =	sne.s32 s0, $0x0;
	s0 =	rddreg [dreg:$0x2]  }
0xdb: {  	s0 =	sadd.s32 @!p0 $0x100000, s0  }
0xdc: {  	[sflag:s0] =	ssyncadd.tile.s32 @!p0 $0x1;
	_ =	shalt  }
.Lfunc_end2:
_tile_overlayer_lowered:
.L_overlay_start_2:
0xdd: {  	(tag) =	ssettag $0x2  }
0xde: {  	s0 =	rddreg [dreg:$0x0];
	s2 =	stileid.u32  }
0xdf: {  	s1 =	rddreg [dreg:$0x1];
	p0 =	sne.s32 s2, $0x0  }
0xe0: {  	s3 =	rddreg [dreg:$0x2];
	[bflag:$0x3] =	sbarrier.arrive $0xFFFF;
	s2 =	simm.s32 @!p0 $0x1C02  }
0xe1: {  	[timem:s3], [sflag:s2] =	dma.local @!p0 [hbm:s0], s1  }
0xe2: {  	s0 =	simm.s32 @!p0 $0x2  }
0xe3: {  	_ =	swait.ge @!p0 [sflag:s0], s1  }
0xe4: {  	s1 =	ssub.s32 @!p0 $0x0, s1;
	[sflag:s0] =	ssyncset.done @!p0 $0x0  }
0xe5: {  	[sflag:s0] =	ssyncadd.s32 @!p0 s1  }
0xe6: {  	[bflag:$0x3] =	sbarrier.arrive $0xFFFF  }
0xe7: {  	_ =	shalt  }

// kernel: kernel.7.cloned.1.call-start
scs
__scs_entry_jumppad:
0x0: {  	(pc) =	sbr.rel $0x88, $3  }
0x1: {  	(tag) =	ssettag $0x0;
	lr =	simm.s32 $0x1  }
0x2: {  	[smem:$0x3F9B] =	sst lr;
	_ =	strace $0xD0000000  }
0x3: {  	_ = 	snop  }
0x4: {  	_ = 	snop  }
0x5: {  	_ = 	snop  }
0x6: {  	_ = 	snop  }
0x7: {  	_ = 	snop  }
__scs_overlays_trampoline_lowered:
0x8: {  	[smem:$0x3FAA] =	sst s0  }
0x9: {  	[smem:$0x3FAB] =	sst s1  }
0xa: {  	[smem:$0x3FAC] =	sst s2  }
0xb: {  	[smem:$0x3FAD] =	sst s3  }
0xc: {  	[smem:$0x3FAE] =	sst s4  }
0xd: {  	[smem:$0x3FAF] =	sst s5  }
0xe: {  	[smem:$0x3FB0] =	sst s6  }
0xf: {  	[smem:$0x3FB1] =	sst s7  }
0x10: {  	[smem:$0x3FB2] =	sst s8  }
0x11: {  	[smem:$0x3FB3] =	sst s9;
	s0 =	simm.s32 @!p0 $0x0  }
0x12: {  	s1 =	sld [smem:$0x3F99];
	s0 =	simm.s32 @p0 $0x1  }
0x13: {  	[smem:$0x3FB4] =	sst s0;
	s0 =	simm.s32 @!p1 $0x0  }
0x14: {  	s2 =	sld [smem:$0x3F98];
	s0 =	simm.s32 @p1 $0x1  }
0x15: {  	[smem:$0x3FB5] =	sst s0;
	s0 =	simm.s32 @!p2 $0x0  }
0x16: {  	s3 =	sld [smem:$0x3FDB];
	s0 =	simm.s32 @p2 $0x1  }
0x17: {  	s4 =	simm.s32 $0x1BF5;
	[smem:$0x3FB7] =	sst s0  }
0x18: {  	s0 =	sld [smem:$0x3F9A];
	_ =	swait.ge [sflag:s4], $0x0  }
0x19: {  	s7 =	sld [smem:$0x3F9B]  }
0x1a: {  	s8 =	sadd.s32 $0xFFFFE003, lr  }
0x1b: {  	s9 =	sadd.s32 $0xFFFFFEF7, lr;
	s5 =	simm.s32 $0xFFFFFFFF;
	p2 =	slt.u32 s8, $0xFFFFF086  }
0x1c: {  	p1 =	slt.u32 s9, $0xF7A;
	s5 =	simm.s32 @!p2 $0x0  }
0x1d: {  	s5 =	simm.s32 @p1 $0x1;
	p0 =	seq.s32 s7, s2  }
0x1e: {  	s7 =	smul.u32 @!p0 $0xF7A, s2;
	p2 =	seq.s32 @!p0 s5, $0x0  }
0x1f: {  	s9 =	smul.u32 $0xF7A, s1;
	s8 =	simm.s32 @!p0 $0x1BF5;
	p2 =	por !p2, p0  }
0x20: {  	[sflag:s8] =	ssyncset.s32 @!p0 $0xFFFFF086;
	s6 =	sadd.s32 @!p0 s3, s7;
	s7 =	simm.s32 @!p0 $0x108  }
0x21: {  	s3 =	sadd.s32 s3, s9;
	s6 =	sadd.s32 @!p0 $0x88, s6;
	s7 =	simm.s32 @p2 $0x1082  }
0x22: {  	[simem:s7], [sflag:s8] =	dma.local @!p0 [hbm:s6], $0xF7A  }
0x23: {  	s9 =	sor.u32 $0xD0000000, s2;
	s6 =	simm.s32 $0x108;
	_ =	swait.ge @!p0 [sflag:s8], $0x0  }
0x24: {  	s3 =	sadd.s32 $0x88, s3;
	s6 =	simm.s32 @!p1 $0x1082;
	[sflag:s4] =	ssyncset.s32 $0xFFFFF086  }
0x25: {  	[simem:s6], [sflag:s4] =	dma.local [hbm:s3], $0xF7A  }
0x26: {  	[smem:$0x3F9B] =	sst s1;
	(tag) =	ssettag s2;
	_ =	strace s9  }
0x27: {  	s1 =	sld [smem:$0x3FAB]  }
0x28: {  	s2 =	sld [smem:$0x3FAC]  }
0x29: {  	s4 =	sld [smem:$0x3FAE]  }
0x2a: {  	p0 =	seq.s32 s5, $0x0;
	s5 =	sld [smem:$0x3FAF]  }
0x2b: {  	s6 =	sld [smem:$0x3FB0]  }
0x2c: {  	s7 =	sld [smem:$0x3FB1]  }
0x2d: {  	s3 =	simm.s32 $0x108;
	s8 =	sld [smem:$0x3FB2]  }
0x2e: {  	s3 =	simm.s32 @!p0 $0x1082;
	s9 =	sld [smem:$0x3FB3]  }
0x2f: {  	lr =	sadd.s32 s0, s3;
	s0 =	sld [smem:$0x3FAA]  }
0x30: {  	s3 =	sld [smem:$0x3FAD]  }
0x31: {  	[smem:$0x3FB6] =	sst s10  }
0x32: {  	s10 =	sld [smem:$0x3FB4];
	_ =	sdelay $0x3  }
0x33: {  	p0 =	seq.s32 s10, $0x1;
	s10 =	sld [smem:$0x3FB6];
	_ =	sdelay $0x3  }
0x34: {  	[smem:$0x3FB6] =	sst s10  }
0x35: {  	s10 =	sld [smem:$0x3FB5];
	_ =	sdelay $0x3  }
0x36: {  	p1 =	seq.s32 s10, $0x1;
	s10 =	sld [smem:$0x3FB6];
	_ =	sdelay $0x3  }
0x37: {  	[smem:$0x3FB6] =	sst s10  }
0x38: {  	s10 =	sld [smem:$0x3FB7]  }
0x39: {  	_ = 	snop;
	(pc) =	sbr.ind lr, $3  }
0x3a: {  	_ = 	snop  }
0x3b: {  	_ = 	snop  }
0x3c: {  	p2 =	seq.s32 s10, $0x1;
	s10 =	sld [smem:$0x3FB6]  }
0x3d: {  	_ =	shalt  }
0x3e: {  	_ =	shalt  }
0x3f: {  	_ =	shalt  }
0x40: {  	_ =	shalt  }
0x41: {  	_ =	shalt  }
0x42: {  	_ =	shalt  }
0x43: {  	_ =	shalt  }
0x44: {  	_ =	shalt  }
0x45: {  	_ =	shalt  }
0x46: {  	_ =	shalt  }
0x47: {  	_ =	shalt  }
0x48: {  	_ =	shalt  }
0x49: {  	_ =	shalt  }
0x4a: {  	_ =	shalt  }
0x4b: {  	_ =	shalt  }
0x4c: {  	_ =	shalt  }
0x4d: {  	_ =	shalt  }
0x4e: {  	_ =	shalt  }
0x4f: {  	_ =	shalt  }
0x50: {  	_ =	shalt  }
0x51: {  	_ =	shalt  }
0x52: {  	_ =	shalt  }
0x53: {  	_ =	shalt  }
0x54: {  	_ =	shalt  }
0x55: {  	_ =	shalt  }
0x56: {  	_ =	shalt  }
0x57: {  	_ =	shalt  }
0x58: {  	_ =	shalt  }
0x59: {  	_ =	shalt  }
0x5a: {  	_ =	shalt  }
0x5b: {  	_ =	shalt  }
0x5c: {  	_ =	shalt  }
0x5d: {  	_ =	shalt  }
0x5e: {  	_ =	shalt  }
0x5f: {  	_ =	shalt  }
0x60: {  	_ =	shalt  }
0x61: {  	_ =	shalt  }
0x62: {  	_ =	shalt  }
0x63: {  	_ =	shalt  }
0x64: {  	_ =	shalt  }
0x65: {  	_ =	shalt  }
0x66: {  	_ =	shalt  }
0x67: {  	_ =	shalt  }
0x68: {  	_ =	shalt  }
0x69: {  	_ =	shalt  }
0x6a: {  	_ =	shalt  }
0x6b: {  	_ =	shalt  }
0x6c: {  	_ =	shalt  }
0x6d: {  	_ =	shalt  }
0x6e: {  	_ =	shalt  }
0x6f: {  	_ =	shalt  }
0x70: {  	_ =	shalt  }
0x71: {  	_ =	shalt  }
0x72: {  	_ =	shalt  }
0x73: {  	_ =	shalt  }
0x74: {  	_ =	shalt  }
0x75: {  	_ =	shalt  }
0x76: {  	_ =	shalt  }
0x77: {  	_ =	shalt  }
0x78: {  	_ =	shalt  }
0x79: {  	_ =	shalt  }
0x7a: {  	_ =	shalt  }
0x7b: {  	_ =	shalt  }
0x7c: {  	_ =	shalt  }
0x7d: {  	_ =	shalt  }
0x7e: {  	_ =	shalt  }
0x7f: {  	_ =	shalt  }
0x80: {  	_ =	shalt  }
0x81: {  	_ =	shalt  }
0x82: {  	_ =	shalt  }
0x83: {  	_ =	shalt  }
0x84: {  	_ =	shalt  }
0x85: {  	_ =	shalt  }
0x86: {  	_ =	shalt  }
0x87: {  	_ =	shalt  }
.Lfunc_end0:
.L_simem_size_0:
called_computation_lowered:
.L_overlay_start_0:
0x88: {  	s2 =	sld [smem:$0x3FD9]  }
0x89: {  	s3 =	sld [smem:$0x3FFE];
	_ =	sdelay $0x1  }
0x8a: {  	s1 =	srdreg.scid  }
0x8b: {  	s0 =	sand.u32 $0x1, s1  }
0x8c: {  	s17 =	sshll.u32 s0, $0xA;
	s2 =	sadd.s32 s3, s2  }
0x8d: {  	s2 =	sadd.s32 s2, s17  }
0x8e: {  	[smem:$0x3FC2] =	sst s2  }
0x8f: {  	_ = 	snop  }
0x90: {  	s2 =	sld [smem:$0x3FC9];
	(tm) =	ssettm $0x1  }
0x91: {  	s18 =	sld [smem:$0x3FFB];
	_ =	sdelay $0x3  }
0x92: {  	_ =	strace s18  }
0x93: {  	s3 =	sld [smem:$0x3FFC];
	_ =	sdelay $0x3  }
0x94: {  	_ =	strace s3  }
0x95: {  	s3 =	sld [smem:$0x3FFD];
	_ =	sdelay $0x3  }
0x96: {  	_ =	strace s3  }
0x97: {  	_ =	strace $0x8FFFFFFF  }
0x98: {  	s19 =	sld [smem:$0x3FDB];
	_ =	sdelay $0x1  }
0x99: {  	s4 =	simm.s32 $_scs_section_size  }
0x9a: {  	s5 =	simm.s32 $_size__tile_overlayer_lowered;
	s6 =	simm.s32 $_tile_overlayer_lowered  }
0x9b: {  	s22 =	simm.s32 $0x1BFF;
	s21 =	sshll.u32 s6, $0x1;
	s3 =	sadd.s32 s4, s19  }
0x9c: {  	s7 =	simm.s32 $0x0;
	s20 =	sshll.u32 s5, $0x1;
	s5 =	sadd.s32 s21, s3  }
0x9d: {  	[timem:s7], [sflag:s22] =	dma.local [hbm:s5], s20  }
0x9e: {  	_ =	swait.ge [sflag:s22], s20  }
0x9f: {  	s4 =	ssub.s32 $0x0, s20;
	[sflag:s22] =	ssyncset.done $0x0  }
0xa0: {  	[sflag:s22] =	ssyncadd.s32 s4;
	_ =	sdelay $0x1  }
0xa1: {  	s23 =	simm.s32 $0x1B8B  }
0xa2: {  	_ =	swait.ge [sflag:s23], $0x1  }
0xa3: {  	[sflag:s23] =	ssyncset.done $0x0  }
0xa4: {  	s25 =	simm.s32 $0x1B8E;
	s24 =	sld [smem:$0x3FFE];
	[sflag:s23] =	ssyncadd.s32 $0xFFFFFFFF  }
0xa5: {  	s26 =	simm.s32 $execute0_lowered;
	[smem:$0x3FD2] =	sst s25  }
0xa6: {  	s5 =	sshll.u32 s26, $0x1;
	_ =	strace $0x80000046;
	[dreg:$0x1] =	wrdreg $0xFFFFFFFF  }
0xa7: {  	s28 =	simm.s32 $_size_execute0_lowered;
	s3 =	sadd.s32 s3, s5;
	[dreg:$0x0] =	wrdreg $0x0  }
0xa8: {  	s5 =	sshll.u32 s28, $0x1;
	[dreg:$0x2] =	wrdreg s3  }
0xa9: {  	[dreg:$0x3] =	wrdreg s5  }
0xaa: {  	[dreg:$0x4] =	wrdreg $0xC0  }
0xab: {  	_ =	task [dreg:s7], $0x5FFFF  }
0xac: {  	[dreg:$0x1] =	wrdreg $0xFFFFFFFF  }
0xad: {  	[dreg:$0x0] =	wrdreg $0x60  }
0xae: {  	[dreg:$0x2] =	wrdreg s2  }
0xaf: {  	[dreg:$0x3] =	wrdreg s24  }
0xb0: {  	[dreg:$0x4] =	wrdreg $0x9  }
0xb1: {  	_ =	task.clear_ibuf [dreg:s7], $0x5FFFF;
	_ =	strace $0x90000046  }
0xb2: {  	s29 =	simm.s32 $0x9;
	_ =	strace $0x80000048  }
0xb3: {  	_ =	swait.ge [sflag:s29], $0x1  }
0xb4: {  	[sflag:s29] =	ssyncadd.s32 $0xFFFFFFFF  }
0xb5: {  	_ =	strace $0x90000048  }
0xb6: {  	_ =	sfence  }
0xb7: {  	s30 =	sld [smem:$0x0];
	_ =	sdelay $0x2  }
0xb8: {  	s31 =	sshll.u32 s1, $0xD;
	s1 =	sshrl.u32 s1, $0x2  }
0xb9: {  	s3 =	sand.u32 $0x4000, s31;
	s1 =	sadd.s32 s1, s30  }
0xba: {  	s0 =	sor.u32 s3, s0;
	s1 =	sshll.u32 s1, $0x11  }
0xbb: {  	s0 =	sor.u32 s1, s0  }
0xbc: {  	s0 =	sadd.s32 $0x8F2B, s0  }
0xbd: {  	[sflag:s0] =	ssyncadd.remote.s32 $0x1  }
0xbe: {  	_ =	sfence.sel $0xFFFF  }
0xbf: {  	[dreg:$0x0] =	wrdreg $0xFFFFFFFF;
	(pc) =	sbr.abs _section_cstart, $3  }
0xc0: {  	[dreg:$0x1] =	wrdreg $0xFFFFFFFF  }
0xc1: {  	_ =	task.clear_ibuf [dreg:s7], $0x2FFFF;
	_ =	strace $0x9FFFFFFF  }
0xc2: {  	(tm) =	ssettm $0x7FFFFFFF  }
0xc3: {  	_ =	shalt  }
tec
execute0_lowered:
.L_overlay_start_1:
0x0: {  	(tag) =	ssettag $0x1  }
0x1: {  	s0 =	srdreg.scid  }
0x2: {  	s1 =	rddreg [dreg:$0x0];
	s2 =	stileid.u32  }
0x3: {  	s6 =	rddreg [dreg:$0x1];
	s26 =	simm.s32 $0x80;
	s18 =	simm.s32 $0x100  }
0x4: {  	s22 =	simm.s32 $0x1900;
	s23 =	simm.s32 $0x2100;
	s24 =	simm.s32 $0x2900  }
0x5: {  	s25 =	simm.s32 $0x3100;
	s28 =	simm.s32 $0x4100;
	s29 =	simm.s32 $0x4900  }
0x6: {  	s30 =	simm.s32 $0x5100;
	s31 =	simm.s32 $0x5900;
	s10 =	simm.s32 $0x7100  }
0x7: {  	s11 =	simm.s32 $0x7900;
	s12 =	simm.s32 $0x8100;
	s13 =	simm.s32 $0x8900  }
0x8: {  	s14 =	simm.s32 $0x9100;
	s15 =	simm.s32 $0x9900;
	s16 =	simm.s32 $0xA100  }
0x9: {  	s17 =	simm.s32 $0xA900;
	s9 =	simm.s32 $0xB100;
	s19 =	simm.s32 $0xB900  }
0xa: {  	s0 =	sand.u32 $0x1, s0;
	s3 =	sshll.u32 s2, $0x7;
	s2 =	simm.s32 $0x0  }
0xb: {  	s4 =	sshll.u32 s0, $0x6;
	[smem:$0x7FF] =	sst s2;
	s0 =	ssub.s32 $0x2, s0  }
0xc: {  	s4 =	sor.u32 s4, s3;
	_ =	strace $0x80000047;
	s7 =	sshrl.u32 s0, $0x1  }
0xd: {  	[dreg:$0x6] =	wrdreg s26;
	s3 =	sshrl.u32 s4, $0x3;
	s4 =	sshll.u32 s4, $0x7  }
0xe: {  	s26 =	simm.s32 $0x3900;
	s5 =	sadd.s32 s3, s6;
	s1 =	sadd.s32 s1, s4  }
0xf: {  	s0 =	ssub.s32 s0, s7;
	s8 =	sadd.s32 $0x8A00, s5;
	[dreg:$0x5] =	wrdreg s1  }
0x10: {  	v2 =	vlaneseq.u32;
	s3 =	sadd.s32 $0x8C00, s6;
	s5 =	sadd.s32 $0x8800, s5;
	[dreg:$0x3] =	wrdreg s8  }
0x11: {  	vm0 =	vmmov $0xffff;
	v1 =	vshrl.u32 v2, $0x3;
	s4 =	sadd.s32 $0x8D00, s6;
	s7 =	smax.u32 s0, $0x1;
	[dreg:$0x4] =	wrdreg s5  }
0x12: {  	v0 =	vand.u32 $0x7, v2;
	v2 =	vor.u32 $0x8, v2;
	v1 =	vmul.u32 $0x8, v1;
	s5 =	sadd.s32 $0x8E00, s6;
	s6 =	sadd.s32 $0x8F00, s6;
	s8 =	simm.s32 $0x3  }
.LBB2_1:
0x13: {  	s20 =	rddreg [dreg:$0x3]  }
0x14: {  	[tilespmem:s2], [sflag:$0x3] =	stream.linear.gather [hbm4b:s20+s2], $0x40, $0x38;
	[tilespmem:$0x10100] =	vst v63  }
0x15: {  	_ =	swait.ge [sflag:s8], $0x40  }
0x16: {  	s0 =	rddreg [dreg:$0x4];
	[sflag:s8] =	ssyncset.done $0x0  }
0x17: {  	s21 =	rddreg [dreg:$0x6];
	[sflag:s8] =	ssyncadd.s32 $0xFFFFFFC0  }
0x18: {  	[tilespmem:s21], [sflag:$0x3] =	stream.linear.gather [hbm4b:s0+s2], $0x40, $0x38;
	[tilespmem:$0x10100] =	vst v63  }
0x19: {  	_ =	swait.ge [sflag:s8], $0x40  }
0x1a: {  	[sflag:s8] =	ssyncset.done $0x0  }
0x1b: {  	s1 =	rddreg [dreg:$0x5];
	[sflag:s8] =	ssyncadd.s32 $0xFFFFFFC0  }
0x1c: {  	[tilespmem:s18], [sflag:$0x3] =	stream.linear.gather [hbm4b:s1+s2], $0x10000, $0x38;
	[tilespmem:$0x10100] =	vst v63  }
0x1d: {  	_ =	swait.ge [sflag:s8], $0x10000  }
0x1e: {  	[sflag:s8] =	ssyncset.done $0x0  }
0x1f: {  	[sflag:s8] =	ssyncadd.s32 $0xFFFF0000  }
0x20: {  	v3 =	vld [tilespmem:$0x0];
	_ =	sdelay $0x4  }
0x21: {  	v4 =	vshll.u32 v3, $0x3  }
0x22: {  	v3 =	vand.u32 $0x7, v3;
	v4 =	vand.u32 $0xFFFFFFC0, v4  }
0x23: {  	v3 =	vor.u32 v3, v4  }
0x24: {  	v4 =	vperm.xlane v3, v0;
	_ =	sdelay $0x1  }
0x25: {  	v4 =	vadd.s32 v1, v4;
	_ =	sdelay $0x4  }
0x26: {  	[hbm4b:s3+s2] =	stream.indirect_vreg.scatter [tilespmem:s18], [sflag:$0x1], $0x80, v4, vm0, $0xb8;
	[tilespmem:$0x10100] =	vst v63  }
0x27: {  	s20 =	simm.s32 $0x900;
	v3 =	vperm.xlane v3, v2  }
0x28: {  	[hbm4b:s4+s2] =	stream.indirect_vreg.scatter [tilespmem:s20], [sflag:$0x1], $0x80, v4, vm0, $0xb8;
	[tilespmem:$0x10100] =	vst v63  }
0x29: {  	s21 =	simm.s32 $0x1100;
	v3 =	vadd.s32 v1, v3  }
0x2a: {  	[hbm4b:s5+s2] =	stream.indirect_vreg.scatter [tilespmem:s21], [sflag:$0x1], $0x80, v4, vm0, $0xb8;
	[tilespmem:$0x10100] =	vst v63  }
0x2b: {  	_ = 	snop  }
0x2c: {  	[hbm4b:s6+s2] =	stream.indirect_vreg.scatter [tilespmem:s22], [sflag:$0x1], $0x80, v4, vm0, $0xb8;
	[tilespmem:$0x10100] =	vst v63  }
0x2d: {  	_ = 	snop  }
0x2e: {  	[hbm4b:s3+s2] =	stream.indirect_vreg.scatter [tilespmem:s23], [sflag:$0x1], $0x80, v3, vm0, $0xb8;
	[tilespmem:$0x10100] =	vst v63  }
0x2f: {  	_ = 	snop  }
0x30: {  	[hbm4b:s4+s2] =	stream.indirect_vreg.scatter [tilespmem:s24], [sflag:$0x1], $0x80, v3, vm0, $0xb8;
	[tilespmem:$0x10100] =	vst v63  }
0x31: {  	_ = 	snop  }
0x32: {  	[hbm4b:s5+s2] =	stream.indirect_vreg.scatter [tilespmem:s25], [sflag:$0x1], $0x80, v3, vm0, $0xb8;
	[tilespmem:$0x10100] =	vst v63  }
0x33: {  	_ = 	snop  }
0x34: {  	[hbm4b:s6+s2] =	stream.indirect_vreg.scatter [tilespmem:s26], [sflag:$0x1], $0x80, v3, vm0, $0xb8;
	[tilespmem:$0x10100] =	vst v63  }
0x35: {  	v3 =	vld [tilespmem:$0x10];
	_ =	sdelay $0x4  }
0x36: {  	v57 =	vshll.u32 v3, $0x3  }
0x37: {  	v3 =	vand.u32 $0x7, v3;
	v4 =	vand.u32 $0xFFFFFFC0, v57  }
0x38: {  	v3 =	vor.u32 v3, v4  }
0x39: {  	v4 =	vperm.xlane v3, v0;
	_ =	sdelay $0x1  }
0x3a: {  	v4 =	vadd.s32 v1, v4;
	_ =	sdelay $0x4  }
0x3b: {  	[hbm4b:s3+s2] =	stream.indirect_vreg.scatter [tilespmem:s28], [sflag:$0x1], $0x80, v4, vm0, $0xb8;
	[tilespmem:$0x10100] =	vst v63  }
0x3c: {  	v3 =	vperm.xlane v3, v2  }
0x3d: {  	[hbm4b:s4+s2] =	stream.indirect_vreg.scatter [tilespmem:s29], [sflag:$0x1], $0x80, v4, vm0, $0xb8;
	[tilespmem:$0x10100] =	vst v63  }
0x3e: {  	v3 =	vadd.s32 v1, v3  }
0x3f: {  	[hbm4b:s5+s2] =	stream.indirect_vreg.scatter [tilespmem:s30], [sflag:$0x1], $0x80, v4, vm0, $0xb8;
	[tilespmem:$0x10100] =	vst v63  }
0x40: {  	_ = 	snop  }
0x41: {  	[hbm4b:s6+s2] =	stream.indirect_vreg.scatter [tilespmem:s31], [sflag:$0x1], $0x80, v4, vm0, $0xb8;
	[tilespmem:$0x10100] =	vst v63  }
0x42: {  	s1 =	simm.s32 $0x6100  }
0x43: {  	[hbm4b:s3+s2] =	stream.indirect_vreg.scatter [tilespmem:s1], [sflag:$0x1], $0x80, v3, vm0, $0xb8;
	[tilespmem:$0x10100] =	vst v63  }
0x44: {  	s0 =	simm.s32 $0x6900  }
0x45: {  	[hbm4b:s4+s2] =	stream.indirect_vreg.scatter [tilespmem:s0], [sflag:$0x1], $0x80, v3, vm0, $0xb8;
	[tilespmem:$0x10100] =	vst v63  }
0x46: {  	_ = 	snop  }
0x47: {  	[hbm4b:s5+s2] =	stream.indirect_vreg.scatter [tilespmem:s10], [sflag:$0x1], $0x80, v3, vm0, $0xb8;
	[tilespmem:$0x10100] =	vst v63  }
0x48: {  	_ = 	snop  }
0x49: {  	[hbm4b:s6+s2] =	stream.indirect_vreg.scatter [tilespmem:s11], [sflag:$0x1], $0x80, v3, vm0, $0xb8;
	[tilespmem:$0x10100] =	vst v63  }
0x4a: {  	v3 =	vld [tilespmem:$0x20];
	_ =	sdelay $0x4  }
0x4b: {  	v58 =	vshll.u32 v3, $0x3  }
0x4c: {  	v3 =	vand.u32 $0x7, v3;
	v4 =	vand.u32 $0xFFFFFFC0, v58  }
0x4d: {  	v3 =	vor.u32 v3, v4  }
0x4e: {  	v4 =	vperm.xlane v3, v0;
	_ =	sdelay $0x1  }
0x4f: {  	v4 =	vadd.s32 v1, v4;
	_ =	sdelay $0x4  }
0x50: {  	[hbm4b:s3+s2] =	stream.indirect_vreg.scatter [tilespmem:s12], [sflag:$0x1], $0x80, v4, vm0, $0xb8;
	[tilespmem:$0x10100] =	vst v63  }
0x51: {  	v3 =	vperm.xlane v3, v2  }
0x52: {  	[hbm4b:s4+s2] =	stream.indirect_vreg.scatter [tilespmem:s13], [sflag:$0x1], $0x80, v4, vm0, $0xb8;
	[tilespmem:$0x10100] =	vst v63  }
0x53: {  	v3 =	vadd.s32 v1, v3  }
0x54: {  	[hbm4b:s5+s2] =	stream.indirect_vreg.scatter [tilespmem:s14], [sflag:$0x1], $0x80, v4, vm0, $0xb8;
	[tilespmem:$0x10100] =	vst v63  }
0x55: {  	_ = 	snop  }
0x56: {  	[hbm4b:s6+s2] =	stream.indirect_vreg.scatter [tilespmem:s15], [sflag:$0x1], $0x80, v4, vm0, $0xb8;
	[tilespmem:$0x10100] =	vst v63  }
0x57: {  	_ = 	snop  }
0x58: {  	[hbm4b:s3+s2] =	stream.indirect_vreg.scatter [tilespmem:s16], [sflag:$0x1], $0x80, v3, vm0, $0xb8;
	[tilespmem:$0x10100] =	vst v63  }
0x59: {  	_ = 	snop  }
0x5a: {  	[hbm4b:s4+s2] =	stream.indirect_vreg.scatter [tilespmem:s17], [sflag:$0x1], $0x80, v3, vm0, $0xb8;
	[tilespmem:$0x10100] =	vst v63  }
0x5b: {  	_ = 	snop  }
0x5c: {  	[hbm4b:s5+s2] =	stream.indirect_vreg.scatter [tilespmem:s9], [sflag:$0x1], $0x80, v3, vm0, $0xb8;
	[tilespmem:$0x10100] =	vst v63  }
0x5d: {  	_ = 	snop  }
0x5e: {  	[hbm4b:s6+s2] =	stream.indirect_vreg.scatter [tilespmem:s19], [sflag:$0x1], $0x80, v3, vm0, $0xb8;
	[tilespmem:$0x10100] =	vst v63  }
0x5f: {  	v3 =	vld [tilespmem:$0x30];
	_ =	sdelay $0x4  }
0x60: {  	v59 =	vshll.u32 v3, $0x3  }
0x61: {  	v3 =	vand.u32 $0x7, v3;
	v4 =	vand.u32 $0xFFFFFFC0, v59  }
0x62: {  	v3 =	vor.u32 v3, v4  }
0x63: {  	v4 =	vperm.xlane v3, v0;
	_ =	sdelay $0x1  }
0x64: {  	v4 =	vadd.s32 v1, v4;
	_ =	sdelay $0x3  }
0x65: {  	s0 =	simm.s32 $0xC100  }
0x66: {  	[hbm4b:s3+s2] =	stream.indirect_vreg.scatter [tilespmem:s0], [sflag:$0x1], $0x80, v4, vm0, $0xb8;
	[tilespmem:$0x10100] =	vst v63  }
0x67: {  	v3 =	vperm.xlane v3, v2;
	s0 =	simm.s32 $0xC900  }
0x68: {  	[hbm4b:s4+s2] =	stream.indirect_vreg.scatter [tilespmem:s0], [sflag:$0x1], $0x80, v4, vm0, $0xb8;
	[tilespmem:$0x10100] =	vst v63  }
0x69: {  	v3 =	vadd.s32 v1, v3;
	s0 =	simm.s32 $0xD100  }
0x6a: {  	[hbm4b:s5+s2] =	stream.indirect_vreg.scatter [tilespmem:s0], [sflag:$0x1], $0x80, v4, vm0, $0xb8;
	[tilespmem:$0x10100] =	vst v63  }
0x6b: {  	s0 =	simm.s32 $0xD900  }
0x6c: {  	[hbm4b:s6+s2] =	stream.indirect_vreg.scatter [tilespmem:s0], [sflag:$0x1], $0x80, v4, vm0, $0xb8;
	[tilespmem:$0x10100] =	vst v63  }
0x6d: {  	s0 =	simm.s32 $0xE100  }
0x6e: {  	[hbm4b:s3+s2] =	stream.indirect_vreg.scatter [tilespmem:s0], [sflag:$0x1], $0x80, v3, vm0, $0xb8;
	[tilespmem:$0x10100] =	vst v63  }
0x6f: {  	s0 =	simm.s32 $0xE900  }
0x70: {  	[hbm4b:s4+s2] =	stream.indirect_vreg.scatter [tilespmem:s0], [sflag:$0x1], $0x80, v3, vm0, $0xb8;
	[tilespmem:$0x10100] =	vst v63  }
0x71: {  	s0 =	simm.s32 $0xF100  }
0x72: {  	[hbm4b:s5+s2] =	stream.indirect_vreg.scatter [tilespmem:s0], [sflag:$0x1], $0x80, v3, vm0, $0xb8;
	[tilespmem:$0x10100] =	vst v63  }
0x73: {  	s0 =	simm.s32 $0xF900  }
0x74: {  	[hbm4b:s6+s2] =	stream.indirect_vreg.scatter [tilespmem:s0], [sflag:$0x1], $0x80, v3, vm0, $0xb8;
	[tilespmem:$0x10100] =	vst v63  }
0x75: {  	v3 =	vld [tilespmem:$0x80];
	_ =	sdelay $0x4  }
0x76: {  	v60 =	vshll.u32 v3, $0x3  }
0x77: {  	v3 =	vand.u32 $0x7, v3;
	v4 =	vand.u32 $0xFFFFFFC0, v60  }
0x78: {  	v3 =	vor.u32 v3, v4  }
0x79: {  	v4 =	vperm.xlane v3, v0;
	_ =	sdelay $0x1  }
0x7a: {  	v4 =	vadd.s32 v1, v4;
	_ =	sdelay $0x4  }
0x7b: {  	[hbm4b:s3+s2] =	stream.indirect_vreg.scatter [tilespmem:s18], [sflag:$0x2], $0x80, v4, vm0, $0xb8;
	[tilespmem:$0x10100] =	vst v63  }
0x7c: {  	v3 =	vperm.xlane v3, v2  }
0x7d: {  	[hbm4b:s4+s2] =	stream.indirect_vreg.scatter [tilespmem:s20], [sflag:$0x2], $0x80, v4, vm0, $0xb8;
	[tilespmem:$0x10100] =	vst v63  }
0x7e: {  	v3 =	vadd.s32 v1, v3  }
0x7f: {  	[hbm4b:s5+s2] =	stream.indirect_vreg.scatter [tilespmem:s21], [sflag:$0x2], $0x80, v4, vm0, $0xb8;
	[tilespmem:$0x10100] =	vst v63  }
0x80: {  	_ = 	snop  }
0x81: {  	[hbm4b:s6+s2] =	stream.indirect_vreg.scatter [tilespmem:s22], [sflag:$0x2], $0x80, v4, vm0, $0xb8;
	[tilespmem:$0x10100] =	vst v63  }
0x82: {  	_ = 	snop  }
0x83: {  	[hbm4b:s3+s2] =	stream.indirect_vreg.scatter [tilespmem:s23], [sflag:$0x2], $0x80, v3, vm0, $0xb8;
	[tilespmem:$0x10100] =	vst v63  }
0x84: {  	_ = 	snop  }
0x85: {  	[hbm4b:s4+s2] =	stream.indirect_vreg.scatter [tilespmem:s24], [sflag:$0x2], $0x80, v3, vm0, $0xb8;
	[tilespmem:$0x10100] =	vst v63  }
0x86: {  	_ = 	snop  }
0x87: {  	[hbm4b:s5+s2] =	stream.indirect_vreg.scatter [tilespmem:s25], [sflag:$0x2], $0x80, v3, vm0, $0xb8;
	[tilespmem:$0x10100] =	vst v63  }
0x88: {  	_ = 	snop  }
0x89: {  	[hbm4b:s6+s2] =	stream.indirect_vreg.scatter [tilespmem:s26], [sflag:$0x2], $0x80, v3, vm0, $0xb8;
	[tilespmem:$0x10100] =	vst v63  }
0x8a: {  	v3 =	vld [tilespmem:$0x90];
	_ =	sdelay $0x4  }
0x8b: {  	v61 =	vshll.u32 v3, $0x3  }
0x8c: {  	v3 =	vand.u32 $0x7, v3;
	v4 =	vand.u32 $0xFFFFFFC0, v61  }
0x8d: {  	v3 =	vor.u32 v3, v4  }
0x8e: {  	v4 =	vperm.xlane v3, v0;
	_ =	sdelay $0x1  }
0x8f: {  	v4 =	vadd.s32 v1, v4;
	_ =	sdelay $0x4  }
0x90: {  	[hbm4b:s3+s2] =	stream.indirect_vreg.scatter [tilespmem:s28], [sflag:$0x2], $0x80, v4, vm0, $0xb8;
	[tilespmem:$0x10100] =	vst v63  }
0x91: {  	v3 =	vperm.xlane v3, v2  }
0x92: {  	[hbm4b:s4+s2] =	stream.indirect_vreg.scatter [tilespmem:s29], [sflag:$0x2], $0x80, v4, vm0, $0xb8;
	[tilespmem:$0x10100] =	vst v63  }
0x93: {  	v3 =	vadd.s32 v1, v3  }
0x94: {  	[hbm4b:s5+s2] =	stream.indirect_vreg.scatter [tilespmem:s30], [sflag:$0x2], $0x80, v4, vm0, $0xb8;
	[tilespmem:$0x10100] =	vst v63  }
0x95: {  	_ = 	snop  }
0x96: {  	[hbm4b:s6+s2] =	stream.indirect_vreg.scatter [tilespmem:s31], [sflag:$0x2], $0x80, v4, vm0, $0xb8;
	[tilespmem:$0x10100] =	vst v63  }
0x97: {  	_ = 	snop  }
0x98: {  	[hbm4b:s3+s2] =	stream.indirect_vreg.scatter [tilespmem:s1], [sflag:$0x2], $0x80, v3, vm0, $0xb8;
	[tilespmem:$0x10100] =	vst v63  }
0x99: {  	s20 =	simm.s32 $0x6900  }
0x9a: {  	[hbm4b:s4+s2] =	stream.indirect_vreg.scatter [tilespmem:s20], [sflag:$0x2], $0x80, v3, vm0, $0xb8;
	[tilespmem:$0x10100] =	vst v63  }
0x9b: {  	_ = 	snop  }
0x9c: {  	[hbm4b:s5+s2] =	stream.indirect_vreg.scatter [tilespmem:s10], [sflag:$0x2], $0x80, v3, vm0, $0xb8;
	[tilespmem:$0x10100] =	vst v63  }
0x9d: {  	_ = 	snop  }
0x9e: {  	[hbm4b:s6+s2] =	stream.indirect_vreg.scatter [tilespmem:s11], [sflag:$0x2], $0x80, v3, vm0, $0xb8;
	[tilespmem:$0x10100] =	vst v63  }
0x9f: {  	v3 =	vld [tilespmem:$0xA0];
	_ =	sdelay $0x4  }
0xa0: {  	v62 =	vshll.u32 v3, $0x3  }
0xa1: {  	v3 =	vand.u32 $0x7, v3;
	v4 =	vand.u32 $0xFFFFFFC0, v62  }
0xa2: {  	v3 =	vor.u32 v3, v4  }
0xa3: {  	v4 =	vperm.xlane v3, v0;
	_ =	sdelay $0x1  }
0xa4: {  	v4 =	vadd.s32 v1, v4;
	_ =	sdelay $0x4  }
0xa5: {  	[hbm4b:s3+s2] =	stream.indirect_vreg.scatter [tilespmem:s12], [sflag:$0x2], $0x80, v4, vm0, $0xb8;
	[tilespmem:$0x10100] =	vst v63  }
0xa6: {  	v3 =	vperm.xlane v3, v2  }
0xa7: {  	[hbm4b:s4+s2] =	stream.indirect_vreg.scatter [tilespmem:s13], [sflag:$0x2], $0x80, v4, vm0, $0xb8;
	[tilespmem:$0x10100] =	vst v63  }
0xa8: {  	v3 =	vadd.s32 v1, v3  }
0xa9: {  	[hbm4b:s5+s2] =	stream.indirect_vreg.scatter [tilespmem:s14], [sflag:$0x2], $0x80, v4, vm0, $0xb8;
	[tilespmem:$0x10100] =	vst v63  }
0xaa: {  	_ = 	snop  }
0xab: {  	[hbm4b:s6+s2] =	stream.indirect_vreg.scatter [tilespmem:s15], [sflag:$0x2], $0x80, v4, vm0, $0xb8;
	[tilespmem:$0x10100] =	vst v63  }
0xac: {  	_ = 	snop  }
0xad: {  	[hbm4b:s3+s2] =	stream.indirect_vreg.scatter [tilespmem:s16], [sflag:$0x2], $0x80, v3, vm0, $0xb8;
	[tilespmem:$0x10100] =	vst v63  }
0xae: {  	_ = 	snop  }
0xaf: {  	[hbm4b:s4+s2] =	stream.indirect_vreg.scatter [tilespmem:s17], [sflag:$0x2], $0x80, v3, vm0, $0xb8;
	[tilespmem:$0x10100] =	vst v63  }
0xb0: {  	_ = 	snop  }
0xb1: {  	[hbm4b:s5+s2] =	stream.indirect_vreg.scatter [tilespmem:s9], [sflag:$0x2], $0x80, v3, vm0, $0xb8;
	[tilespmem:$0x10100] =	vst v63  }
0xb2: {  	_ = 	snop  }
0xb3: {  	[hbm4b:s6+s2] =	stream.indirect_vreg.scatter [tilespmem:s19], [sflag:$0x2], $0x80, v3, vm0, $0xb8;
	[tilespmem:$0x10100] =	vst v63  }
0xb4: {  	v3 =	vld [tilespmem:$0xB0];
	_ =	sdelay $0x4  }
0xb5: {  	v63 =	vshll.u32 v3, $0x3  }
0xb6: {  	v3 =	vand.u32 $0x7, v3;
	v4 =	vand.u32 $0xFFFFFFC0, v63  }
0xb7: {  	v3 =	vor.u32 v3, v4  }
0xb8: {  	v4 =	vperm.xlane v3, v0;
	_ =	sdelay $0x1  }
0xb9: {  	v4 =	vadd.s32 v1, v4;
	_ =	sdelay $0x3  }
0xba: {  	s21 =	simm.s32 $0xC100  }
0xbb: {  	[hbm4b:s3+s2] =	stream.indirect_vreg.scatter [tilespmem:s21], [sflag:$0x2], $0x80, v4, vm0, $0xb8;
	[tilespmem:$0x10100] =	vst v63  }
0xbc: {  	s20 =	simm.s32 $0xC900;
	v3 =	vperm.xlane v3, v2  }
0xbd: {  	[hbm4b:s4+s2] =	stream.indirect_vreg.scatter [tilespmem:s20], [sflag:$0x2], $0x80, v4, vm0, $0xb8;
	[tilespmem:$0x10100] =	vst v63  }
0xbe: {  	v3 =	vadd.s32 v1, v3;
	s21 =	simm.s32 $0xD100  }
0xbf: {  	[hbm4b:s5+s2] =	stream.indirect_vreg.scatter [tilespmem:s21], [sflag:$0x2], $0x80, v4, vm0, $0xb8;
	[tilespmem:$0x10100] =	vst v63  }
0xc0: {  	s20 =	simm.s32 $0xD900  }
0xc1: {  	[hbm4b:s6+s2] =	stream.indirect_vreg.scatter [tilespmem:s20], [sflag:$0x2], $0x80, v4, vm0, $0xb8;
	[tilespmem:$0x10100] =	vst v63  }
0xc2: {  	s21 =	simm.s32 $0xE100  }
0xc3: {  	[hbm4b:s3+s2] =	stream.indirect_vreg.scatter [tilespmem:s21], [sflag:$0x2], $0x80, v3, vm0, $0xb8;
	[tilespmem:$0x10100] =	vst v63  }
0xc4: {  	s20 =	simm.s32 $0xE900  }
0xc5: {  	[hbm4b:s4+s2] =	stream.indirect_vreg.scatter [tilespmem:s20], [sflag:$0x2], $0x80, v3, vm0, $0xb8;
	[tilespmem:$0x10100] =	vst v63  }
0xc6: {  	s21 =	simm.s32 $0xF100  }
0xc7: {  	[hbm4b:s5+s2] =	stream.indirect_vreg.scatter [tilespmem:s21], [sflag:$0x2], $0x80, v3, vm0, $0xb8;
	[tilespmem:$0x10100] =	vst v63  }
0xc8: {  	s20 =	simm.s32 $0x1  }
0xc9: {  	[hbm4b:s6+s2] =	stream.indirect_vreg.scatter [tilespmem:s0], [sflag:$0x2], $0x80, v3, vm0, $0xb8;
	[tilespmem:$0x10100] =	vst v63  }
0xca: {  	p0 =	sne.s32 s7, $0x1;
	_ =	swait.ge [sflag:s20], $0x10000  }
.Ltmp0:
0xcb: {  	[sflag:s20] =	ssyncset.done $0x0;
	(pc) =	sbr.rel @p0 .LBB2_1-.Ltmp0, $4  }
0xcc: {  	s21 =	simm.s32 $0x2;
	[sflag:s20] =	ssyncadd.s32 $0xFFFF0000  }
0xcd: {  	_ =	swait.ge [sflag:s21], $0x10000  }
0xce: {  	[sflag:s21] =	ssyncset.done $0x0  }
0xcf: {  	s7 =	sadd.s32 $0xFFFFFFFF, s7;
	[sflag:s21] =	ssyncadd.s32 $0xFFFF0000  }
0xd0: {  	_ =	sfence.sel $0x180000  }
0xd1: {  	[bflag:$0x0] =	sbarrier.arrive $0xFFFF  }
0xd2: {  	_ =	strace $0x90000047  }
0xd3: {  	s0 =	stileid.u32;
	[bflag:$0x2] =	sbarrier.arrive $0xFFFF  }
0xd4: {  	p0 =	sne.s32 s0, $0x0;
	s0 =	rddreg [dreg:$0x2]  }
0xd5: {  	s0 =	sadd.s32 @!p0 $0x100000, s0  }
0xd6: {  	[sflag:s0] =	ssyncadd.tile.s32 @!p0 $0x1;
	_ =	shalt  }
.Lfunc_end2:
_tile_overlayer_lowered:
.L_overlay_start_2:
0xd7: {  	(tag) =	ssettag $0x2  }
0xd8: {  	s0 =	rddreg [dreg:$0x0];
	s2 =	stileid.u32  }
0xd9: {  	s1 =	rddreg [dreg:$0x1];
	p0 =	sne.s32 s2, $0x0  }
0xda: {  	s3 =	rddreg [dreg:$0x2];
	[bflag:$0x3] =	sbarrier.arrive $0xFFFF;
	s2 =	simm.s32 @!p0 $0x1C03  }
0xdb: {  	[timem:s3], [sflag:s2] =	dma.local @!p0 [hbm:s0], s1  }
0xdc: {  	s0 =	simm.s32 @!p0 $0x3  }
0xdd: {  	_ =	swait.ge @!p0 [sflag:s0], s1  }
0xde: {  	s1 =	ssub.s32 @!p0 $0x0, s1;
	[sflag:s0] =	ssyncset.done @!p0 $0x0  }
0xdf: {  	[sflag:s0] =	ssyncadd.s32 @!p0 s1  }
0xe0: {  	[bflag:$0x3] =	sbarrier.arrive $0xFFFF  }
0xe1: {  	_ =	shalt  }

</sc_bundles>
